<compile_context>
chip_gen: v7x
topology: tpu7x:2x2x1
jax: 0.10.2.dev20260603
libtpu: 0.0.44.dev20260713+nightly
codegen_flags: <defaults>
</compile_context>

<pallas_src>
import dataclasses
import functools

import jax
import jax.numpy as jnp
from jax import lax
from jax.experimental import pallas as pl
from jax.experimental.pallas import tpu as pltpu
from jax.experimental.pallas import tpu_sc as plsc

ROWS = 16384
COLS = 1000
K = 200

NUM_CORES = 2
NUM_SUBCORES = 16
NW = NUM_CORES * NUM_SUBCORES
ROWS_PER_WORKER = ROWS // NW

R = 32
NCHUNK = ROWS_PER_WORKER // R

_OFFS = tuple(range(0, K - 16, 16)) + (K - 16,)

_mesh = plsc.VectorSubcoreMesh(core_axis_name="c", subcore_axis_name="s")

_cp = pltpu.CompilerParams(skip_device_barrier=True)
if "needs_layout_passes" in pltpu.CompilerParams.__dataclass_fields__:
    _cp = dataclasses.replace(_cp, needs_layout_passes=False)


@functools.partial(
    pl.kernel,
    mesh=_mesh,
    compiler_params=_cp,
    out_type=jax.ShapeDtypeStruct((ROWS, K), jnp.float32),
    scratch_types=[
        pltpu.VMEM((R, COLS), jnp.float32),
        pltpu.VMEM((R, K), jnp.int32),
        pltpu.VMEM((R, K), jnp.float32),
        pltpu.VMEM((R, COLS), jnp.float32),
        pltpu.VMEM((R, K), jnp.int32),
        pltpu.VMEM((R, K), jnp.float32),
        pltpu.SemaphoreType.DMA,
        pltpu.SemaphoreType.DMA,
        pltpu.SemaphoreType.DMA,
        pltpu.SemaphoreType.DMA,
    ],
)
def _gather_dim1(
    in_hbm, idx_hbm, out_hbm,
    in0, idx0, out0, in1, idx1, out1,
    sl0, sl1, so0, so1,
):
    wid = lax.axis_index("s") * NUM_CORES + lax.axis_index("c")
    row0 = wid * ROWS_PER_WORKER
    bufs = ((in0, idx0, out0, sl0, so0), (in1, idx1, out1, sl1, so1))

    def load_descs(c, b):
        in_v, idx_v, _, sl, _ = bufs[b]
        base = row0 + c * R
        return (
            pltpu.make_async_copy(in_hbm.at[pl.ds(base, R)], in_v, sl),
            pltpu.make_async_copy(idx_hbm.at[pl.ds(base, R)], idx_v, sl),
        )

    def out_desc(c, b):
        _, _, out_v, _, so = bufs[b]
        base = row0 + c * R
        return pltpu.make_async_copy(out_v, out_hbm.at[pl.ds(base, R)], so)

    def compute(b):
        in_v, idx_v, out_v, _, _ = bufs[b]

        @pl.loop(0, R, step=2)
        def _(r):
            for rr in range(2):
                rsplat = jnp.full((16,), r + rr, jnp.int32)
                for off in _OFFS:
                    idx16 = idx_v[r + rr, pl.ds(off, 16)]
                    vals = plsc.load_gather(in_v, [rsplat, idx16])
                    out_v[r + rr, pl.ds(off, 16)] = vals

    for d in load_descs(0, 0):
        d.start()

    @pl.loop(0, NCHUNK // 2)
    def _(cc):
        for b in range(2):
            c = cc * 2 + b
            for d in load_descs(c, b):
                d.wait()

            @pl.when(c + 1 < NCHUNK)
            def _():
                for d in load_descs(c + 1, 1 - b):
                    d.start()

            @pl.when(c >= 2)
            def _():
                out_desc(c - 2, b).wait()

            compute(b)
            out_desc(c, b).start()

    out_desc(NCHUNK - 2, 0).wait()
    out_desc(NCHUNK - 1, 1).wait()


def kernel(input, index):
    return _gather_dim1(input, index.astype(jnp.int32))

# --- scband reference (transcript-rebuilt; emitter-appended) ---
"""Pipeline reference for scband-gather-dim1-4269197492486 (READ-ONLY COPY).

The authoritative reference and input builder live on the scoring server;
editing this copy changes nothing except your own understanding.
"""

import jax, jax.numpy as jnp
import numpy as np

def setup_inputs(seed: int = 0) -> dict:
    key = jax.random.key(seed)
    k1, k2 = jax.random.split(key)
    input = jax.random.normal(k1, (16384, 1000), dtype=jnp.float32)
    index = jax.random.randint(k2, (16384, 200), 0, 1000, dtype=jnp.int64)
    return {"input": input, "index": index}

def reference(input, index):
    # torch.gather(input, 1, index): out[i, j] = input[i, index[i, j]]
    return jnp.take_along_axis(input, index, axis=1)

if __name__ == "__main__":
    import jax
    _d = setup_inputs()
    print(jax.jit(kernel)(*tuple(_d.values())))

</pallas_src>

<mosaic_0001>
#map = affine_map<(d0, d1) -> (0, 0)>
module attributes {stable_mosaic.version = 14 : i64} {
  func.func @_gather_dim1(%arg0: i32, %arg1: i32, %arg2: memref<16384x1000xf32, #tpu.memory_space<hbm>>, %arg3: memref<16384x200xi32, #tpu.memory_space<hbm>>, %arg4: memref<16384x200xf32, #tpu.memory_space<hbm>>, %arg5: memref<32x1000xf32, #tpu.memory_space<vmem>>, %arg6: memref<32x200xi32, #tpu.memory_space<vmem>>, %arg7: memref<32x200xf32, #tpu.memory_space<vmem>>, %arg8: memref<32x1000xf32, #tpu.memory_space<vmem>>, %arg9: memref<32x200xi32, #tpu.memory_space<vmem>>, %arg10: memref<32x200xf32, #tpu.memory_space<vmem>>, %arg11: memref<!tpu.dma_semaphore, #tpu.memory_space<semaphore_mem>>, %arg12: memref<!tpu.dma_semaphore, #tpu.memory_space<semaphore_mem>>, %arg13: memref<!tpu.dma_semaphore, #tpu.memory_space<semaphore_mem>>, %arg14: memref<!tpu.dma_semaphore, #tpu.memory_space<semaphore_mem>>) attributes {dimension_semantics = [#tpu.dimension_semantics<core_parallel>, #tpu.dimension_semantics<subcore_parallel>], iteration_bounds = array<i64: 2, 16>, scalar_prefetch = 0 : i64, scratch_operands = 10 : i64, tpu.core_type = #tpu.core_type<sc_vector_subcore>, window_params = [{transform_indices = #map}, {transform_indices = #map}, {transform_indices = #map}]} {
    %mul3A = arith.constant 2 : i32
    %mul3A_0 = arith.muli %arg1, %mul3A : i32
    %add3A = arith.addi %mul3A_0, %arg0 : i32
    %mul3A_1 = arith.constant 512 : i32
    %mul3A_2 = arith.muli %add3A, %mul3A_1 : i32
    %add3A_3 = arith.constant 0 : i32
    %add3A_4 = arith.addi %mul3A_2, %add3A_3 : i32
    %dma_start3A = arith.constant 0 : i32
    %dma_start3A_5 = tpu.memref_slice %arg2[%add3A_4, %dma_start3A] : memref<16384x1000xf32, #tpu.memory_space<hbm>> -> memref<32x1000xf32, #tpu.memory_space<hbm>>
    %dma_start3A_6 = arith.constant 0 : i32
    %dma_start3A_7 = tpu.memref_slice %arg2[%add3A_4, %dma_start3A_6] : memref<16384x1000xf32, #tpu.memory_space<hbm>> -> memref<32x1000xf32, #tpu.memory_space<hbm>>
    tpu.enqueue_dma source(%dma_start3A_7 : memref<32x1000xf32, #tpu.memory_space<hbm>>) target(%arg5 : memref<32x1000xf32, #tpu.memory_space<vmem>>) target_semaphore(%arg11 : memref<!tpu.dma_semaphore, #tpu.memory_space<semaphore_mem>>)
    %dma_start3A_8 = arith.constant 0 : i32
    %dma_start3A_9 = tpu.memref_slice %arg3[%add3A_4, %dma_start3A_8] : memref<16384x200xi32, #tpu.memory_space<hbm>> -> memref<32x200xi32, #tpu.memory_space<hbm>>
    %dma_start3A_10 = arith.constant 0 : i32
    %dma_start3A_11 = tpu.memref_slice %arg3[%add3A_4, %dma_start3A_10] : memref<16384x200xi32, #tpu.memory_space<hbm>> -> memref<32x200xi32, #tpu.memory_space<hbm>>
    tpu.enqueue_dma source(%dma_start3A_11 : memref<32x200xi32, #tpu.memory_space<hbm>>) target(%arg6 : memref<32x200xi32, #tpu.memory_space<vmem>>) target_semaphore(%arg11 : memref<!tpu.dma_semaphore, #tpu.memory_space<semaphore_mem>>)
    %scan3A = arith.constant 0 : i32
    %scan3A_12 = arith.constant 8 : i32
    %scan3A_13 = arith.addi %scan3A, %scan3A_12 : i32
    %scan3A_14 = arith.constant 1 : i32
    scf.for %scan3A_27 = %scan3A to %scan3A_13 step %scan3A_14  : i32 {
      %mul3A_28 = arith.constant 1 : i32
      %mul3A_29 = arith.muli %scan3A_27, %mul3A_28 : i32
      %add3A_30 = arith.constant 0 : i32
      %add3A_31 = arith.addi %add3A_30, %mul3A_29 : i32
      %mul3A_32 = arith.constant 2 : i32
      %mul3A_33 = arith.muli %add3A_31, %mul3A_32 : i32
      %add3A_34 = arith.constant 0 : i32
      %add3A_35 = arith.addi %mul3A_33, %add3A_34 : i32
      %mul3A_36 = arith.constant 32 : i32
      %mul3A_37 = arith.muli %add3A_35, %mul3A_36 : i32
      %add3A_38 = arith.addi %mul3A_2, %mul3A_37 : i32
      %dma_wait3A_39 = arith.constant 0 : i32
      %dma_wait3A_40 = tpu.memref_slice %arg2[%add3A_38, %dma_wait3A_39] : memref<16384x1000xf32, #tpu.memory_space<hbm>> -> memref<32x1000xf32, #tpu.memory_space<hbm>>
      %dma_wait3A_41 = arith.constant 0 : i32
      %dma_wait3A_42 = tpu.memref_slice %arg2[%add3A_38, %dma_wait3A_41] : memref<16384x1000xf32, #tpu.memory_space<hbm>> -> memref<32x1000xf32, #tpu.memory_space<hbm>>
      tpu.wait_dma2 semaphore(%arg11 : memref<!tpu.dma_semaphore, #tpu.memory_space<semaphore_mem>>) src(%dma_wait3A_42 : memref<32x1000xf32, #tpu.memory_space<hbm>>) dst(%arg5 : memref<32x1000xf32, #tpu.memory_space<vmem>>)
      %dma_wait3A_43 = arith.constant 0 : i32
      %dma_wait3A_44 = tpu.memref_slice %arg3[%add3A_38, %dma_wait3A_43] : memref<16384x200xi32, #tpu.memory_space<hbm>> -> memref<32x200xi32, #tpu.memory_space<hbm>>
      %dma_wait3A_45 = arith.constant 0 : i32
      %dma_wait3A_46 = tpu.memref_slice %arg3[%add3A_38, %dma_wait3A_45] : memref<16384x200xi32, #tpu.memory_space<hbm>> -> memref<32x200xi32, #tpu.memory_space<hbm>>
      tpu.wait_dma2 semaphore(%arg11 : memref<!tpu.dma_semaphore, #tpu.memory_space<semaphore_mem>>) src(%dma_wait3A_46 : memref<32x200xi32, #tpu.memory_space<hbm>>) dst(%arg6 : memref<32x200xi32, #tpu.memory_space<vmem>>)
      %add3A_47 = arith.constant 1 : i32
      %add3A_48 = arith.addi %add3A_35, %add3A_47 : i32
      %lt3A = arith.constant 16 : i32
      %lt3A_49 = arith.cmpi slt, %add3A_48, %lt3A : i32
      %convert_element_type3A = arith.extui %lt3A_49 : i1 to i32
      %cond3A = arith.constant 0 : i32
      %cond3A_50 = arith.cmpi ne, %convert_element_type3A, %cond3A : i32
      scf.if %cond3A_50 {
        %add3A_106 = arith.constant 1 : i32
        %add3A_107 = arith.addi %add3A_35, %add3A_106 : i32
        %mul3A_108 = arith.constant 32 : i32
        %mul3A_109 = arith.muli %add3A_107, %mul3A_108 : i32
        %add3A_110 = arith.addi %mul3A_2, %mul3A_109 : i32
        %dma_start3A_111 = arith.constant 0 : i32
        %dma_start3A_112 = tpu.memref_slice %arg2[%add3A_110, %dma_start3A_111] : memref<16384x1000xf32, #tpu.memory_space<hbm>> -> memref<32x1000xf32, #tpu.memory_space<hbm>>
        %dma_start3A_113 = arith.constant 0 : i32
        %dma_start3A_114 = tpu.memref_slice %arg2[%add3A_110, %dma_start3A_113] : memref<16384x1000xf32, #tpu.memory_space<hbm>> -> memref<32x1000xf32, #tpu.memory_space<hbm>>
        tpu.enqueue_dma source(%dma_start3A_114 : memref<32x1000xf32, #tpu.memory_space<hbm>>) target(%arg8 : memref<32x1000xf32, #tpu.memory_space<vmem>>) target_semaphore(%arg12 : memref<!tpu.dma_semaphore, #tpu.memory_space<semaphore_mem>>)
        %dma_start3A_115 = arith.constant 0 : i32
        %dma_start3A_116 = tpu.memref_slice %arg3[%add3A_110, %dma_start3A_115] : memref<16384x200xi32, #tpu.memory_space<hbm>> -> memref<32x200xi32, #tpu.memory_space<hbm>>
        %dma_start3A_117 = arith.constant 0 : i32
        %dma_start3A_118 = tpu.memref_slice %arg3[%add3A_110, %dma_start3A_117] : memref<16384x200xi32, #tpu.memory_space<hbm>> -> memref<32x200xi32, #tpu.memory_space<hbm>>
        tpu.enqueue_dma source(%dma_start3A_118 : memref<32x200xi32, #tpu.memory_space<hbm>>) target(%arg9 : memref<32x200xi32, #tpu.memory_space<vmem>>) target_semaphore(%arg12 : memref<!tpu.dma_semaphore, #tpu.memory_space<semaphore_mem>>)
      } else {
      }
      %ge3A = arith.constant 2 : i32
      %ge3A_51 = arith.cmpi sge, %add3A_35, %ge3A : i32
      %convert_element_type3A_52 = arith.extui %ge3A_51 : i1 to i32
      %cond3A_53 = arith.constant 0 : i32
      %cond3A_54 = arith.cmpi ne, %convert_element_type3A_52, %cond3A_53 : i32
      scf.if %cond3A_54 {
        %sub3A = arith.constant 2 : i32
        %sub3A_106 = arith.subi %add3A_35, %sub3A : i32
        %mul3A_107 = arith.constant 32 : i32
        %mul3A_108 = arith.muli %sub3A_106, %mul3A_107 : i32
        %add3A_109 = arith.addi %mul3A_2, %mul3A_108 : i32
        %dma_wait3A_110 = arith.constant 0 : i32
        %dma_wait3A_111 = tpu.memref_slice %arg4[%add3A_109, %dma_wait3A_110] : memref<16384x200xf32, #tpu.memory_space<hbm>> -> memref<32x200xf32, #tpu.memory_space<hbm>>
        %dma_wait3A_112 = arith.constant 0 : i32
        %dma_wait3A_113 = tpu.memref_slice %arg4[%add3A_109, %dma_wait3A_112] : memref<16384x200xf32, #tpu.memory_space<hbm>> -> memref<32x200xf32, #tpu.memory_space<hbm>>
        tpu.wait_dma2 semaphore(%arg13 : memref<!tpu.dma_semaphore, #tpu.memory_space<semaphore_mem>>) src(%arg7 : memref<32x200xf32, #tpu.memory_space<vmem>>) dst(%dma_wait3A_113 : memref<32x200xf32, #tpu.memory_space<hbm>>)
      } else {
      }
      %scan3A_55 = arith.constant 0 : i32
      %scan3A_56 = arith.constant 16 : i32
      %scan3A_57 = arith.addi %scan3A_55, %scan3A_56 : i32
      %scan3A_58 = arith.constant 1 : i32
      scf.for %scan3A_106 = %scan3A_55 to %scan3A_57 step %scan3A_58  : i32 {
        %mul3A_107 = arith.constant 2 : i32
        %mul3A_108 = arith.muli %scan3A_106, %mul3A_107 : i32
        %add3A_109 = arith.constant 0 : i32
        %add3A_110 = arith.addi %add3A_109, %mul3A_108 : i32
        %add3A_111 = arith.constant 0 : i32
        %add3A_112 = arith.addi %add3A_110, %add3A_111 : i32
        %broadcast_in_dim3A = vector.broadcast %add3A_112 : i32 to vector<16xi32>
        %add3A_113 = arith.constant 0 : i32
        %add3A_114 = arith.addi %add3A_110, %add3A_113 : i32
        %get3A = arith.index_cast %add3A_114 : i32 to index
        %get3A_115 = arith.constant 0 : index
        %get3A_116 = tpu.vector_load %arg6[%get3A, %get3A_115] {strides = array<i32>} : memref<32x200xi32, #tpu.memory_space<vmem>>, vector<16xi32>,
        %gather3A = tpu.vector_load_idx %arg5[%broadcast_in_dim3A, %get3A_116] : memref<32x1000xf32, #tpu.memory_space<vmem>>[vector<16xi32>, vector<16xi32>], vector<16xf32>,
        %add3A_117 = arith.constant 0 : i32
        %add3A_118 = arith.addi %add3A_110, %add3A_117 : i32
        %swap3A = arith.index_cast %add3A_118 : i32 to index
        %swap3A_119 = arith.constant 0 : index
        %swap3A_120 = tpu.vector_load %arg7[%swap3A, %swap3A_119] {strides = array<i32>} : memref<32x200xf32, #tpu.memory_space<vmem>>, vector<16xf32>,
        tpu.vector_store %arg7[%swap3A, %swap3A_119], %gather3A {strides = array<i32>} : memref<32x200xf32, #tpu.memory_space<vmem>>, vector<16xf32>,
        %add3A_121 = arith.constant 0 : i32
        %add3A_122 = arith.addi %add3A_110, %add3A_121 : i32
        %get3A_123 = arith.index_cast %add3A_122 : i32 to index
        %get3A_124 = arith.constant 16 : index
        %get3A_125 = tpu.vector_load %arg6[%get3A_123, %get3A_124] {strides = array<i32>} : memref<32x200xi32, #tpu.memory_space<vmem>>, vector<16xi32>,
        %gather3A_126 = tpu.vector_load_idx %arg5[%broadcast_in_dim3A, %get3A_125] : memref<32x1000xf32, #tpu.memory_space<vmem>>[vector<16xi32>, vector<16xi32>], vector<16xf32>,
        %add3A_127 = arith.constant 0 : i32
        %add3A_128 = arith.addi %add3A_110, %add3A_127 : i32
        %swap3A_129 = arith.index_cast %add3A_128 : i32 to index
        %swap3A_130 = arith.constant 16 : index
        %swap3A_131 = tpu.vector_load %arg7[%swap3A_129, %swap3A_130] {strides = array<i32>} : memref<32x200xf32, #tpu.memory_space<vmem>>, vector<16xf32>,
        tpu.vector_store %arg7[%swap3A_129, %swap3A_130], %gather3A_126 {strides = array<i32>} : memref<32x200xf32, #tpu.memory_space<vmem>>, vector<16xf32>,
        %add3A_132 = arith.constant 0 : i32
        %add3A_133 = arith.addi %add3A_110, %add3A_132 : i32
        %get3A_134 = arith.index_cast %add3A_133 : i32 to index
        %get3A_135 = arith.constant 32 : index
        %get3A_136 = tpu.vector_load %arg6[%get3A_134, %get3A_135] {strides = array<i32>} : memref<32x200xi32, #tpu.memory_space<vmem>>, vector<16xi32>,
        %gather3A_137 = tpu.vector_load_idx %arg5[%broadcast_in_dim3A, %get3A_136] : memref<32x1000xf32, #tpu.memory_space<vmem>>[vector<16xi32>, vector<16xi32>], vector<16xf32>,
        %add3A_138 = arith.constant 0 : i32
        %add3A_139 = arith.addi %add3A_110, %add3A_138 : i32
        %swap3A_140 = arith.index_cast %add3A_139 : i32 to index
        %swap3A_141 = arith.constant 32 : index
        %swap3A_142 = tpu.vector_load %arg7[%swap3A_140, %swap3A_141] {strides = array<i32>} : memref<32x200xf32, #tpu.memory_space<vmem>>, vector<16xf32>,
        tpu.vector_store %arg7[%swap3A_140, %swap3A_141], %gather3A_137 {strides = array<i32>} : memref<32x200xf32, #tpu.memory_space<vmem>>, vector<16xf32>,
        %add3A_143 = arith.constant 0 : i32
        %add3A_144 = arith.addi %add3A_110, %add3A_143 : i32
        %get3A_145 = arith.index_cast %add3A_144 : i32 to index
        %get3A_146 = arith.constant 48 : index
        %get3A_147 = tpu.vector_load %arg6[%get3A_145, %get3A_146] {strides = array<i32>} : memref<32x200xi32, #tpu.memory_space<vmem>>, vector<16xi32>,
        %gather3A_148 = tpu.vector_load_idx %arg5[%broadcast_in_dim3A, %get3A_147] : memref<32x1000xf32, #tpu.memory_space<vmem>>[vector<16xi32>, vector<16xi32>], vector<16xf32>,
        %add3A_149 = arith.constant 0 : i32
        %add3A_150 = arith.addi %add3A_110, %add3A_149 : i32
        %swap3A_151 = arith.index_cast %add3A_150 : i32 to index
        %swap3A_152 = arith.constant 48 : index
        %swap3A_153 = tpu.vector_load %arg7[%swap3A_151, %swap3A_152] {strides = array<i32>} : memref<32x200xf32, #tpu.memory_space<vmem>>, vector<16xf32>,
        tpu.vector_store %arg7[%swap3A_151, %swap3A_152], %gather3A_148 {strides = array<i32>} : memref<32x200xf32, #tpu.memory_space<vmem>>, vector<16xf32>,
        %add3A_154 = arith.constant 0 : i32
        %add3A_155 = arith.addi %add3A_110, %add3A_154 : i32
        %get3A_156 = arith.index_cast %add3A_155 : i32 to index
        %get3A_157 = arith.constant 64 : index
        %get3A_158 = tpu.vector_load %arg6[%get3A_156, %get3A_157] {strides = array<i32>} : memref<32x200xi32, #tpu.memory_space<vmem>>, vector<16xi32>,
        %gather3A_159 = tpu.vector_load_idx %arg5[%broadcast_in_dim3A, %get3A_158] : memref<32x1000xf32, #tpu.memory_space<vmem>>[vector<16xi32>, vector<16xi32>], vector<16xf32>,
        %add3A_160 = arith.constant 0 : i32
        %add3A_161 = arith.addi %add3A_110, %add3A_160 : i32
        %swap3A_162 = arith.index_cast %add3A_161 : i32 to index
        %swap3A_163 = arith.constant 64 : index
        %swap3A_164 = tpu.vector_load %arg7[%swap3A_162, %swap3A_163] {strides = array<i32>} : memref<32x200xf32, #tpu.memory_space<vmem>>, vector<16xf32>,
        tpu.vector_store %arg7[%swap3A_162, %swap3A_163], %gather3A_159 {strides = array<i32>} : memref<32x200xf32, #tpu.memory_space<vmem>>, vector<16xf32>,
        %add3A_165 = arith.constant 0 : i32
        %add3A_166 = arith.addi %add3A_110, %add3A_165 : i32
        %get3A_167 = arith.index_cast %add3A_166 : i32 to index
        %get3A_168 = arith.constant 80 : index
        %get3A_169 = tpu.vector_load %arg6[%get3A_167, %get3A_168] {strides = array<i32>} : memref<32x200xi32, #tpu.memory_space<vmem>>, vector<16xi32>,
        %gather3A_170 = tpu.vector_load_idx %arg5[%broadcast_in_dim3A, %get3A_169] : memref<32x1000xf32, #tpu.memory_space<vmem>>[vector<16xi32>, vector<16xi32>], vector<16xf32>,
        %add3A_171 = arith.constant 0 : i32
        %add3A_172 = arith.addi %add3A_110, %add3A_171 : i32
        %swap3A_173 = arith.index_cast %add3A_172 : i32 to index
        %swap3A_174 = arith.constant 80 : index
        %swap3A_175 = tpu.vector_load %arg7[%swap3A_173, %swap3A_174] {strides = array<i32>} : memref<32x200xf32, #tpu.memory_space<vmem>>, vector<16xf32>,
        tpu.vector_store %arg7[%swap3A_173, %swap3A_174], %gather3A_170 {strides = array<i32>} : memref<32x200xf32, #tpu.memory_space<vmem>>, vector<16xf32>,
        %add3A_176 = arith.constant 0 : i32
        %add3A_177 = arith.addi %add3A_110, %add3A_176 : i32
        %get3A_178 = arith.index_cast %add3A_177 : i32 to index
        %get3A_179 = arith.constant 96 : index
        %get3A_180 = tpu.vector_load %arg6[%get3A_178, %get3A_179] {strides = array<i32>} : memref<32x200xi32, #tpu.memory_space<vmem>>, vector<16xi32>,
        %gather3A_181 = tpu.vector_load_idx %arg5[%broadcast_in_dim3A, %get3A_180] : memref<32x1000xf32, #tpu.memory_space<vmem>>[vector<16xi32>, vector<16xi32>], vector<16xf32>,
        %add3A_182 = arith.constant 0 : i32
        %add3A_183 = arith.addi %add3A_110, %add3A_182 : i32
        %swap3A_184 = arith.index_cast %add3A_183 : i32 to index
        %swap3A_185 = arith.constant 96 : index
        %swap3A_186 = tpu.vector_load %arg7[%swap3A_184, %swap3A_185] {strides = array<i32>} : memref<32x200xf32, #tpu.memory_space<vmem>>, vector<16xf32>,
        tpu.vector_store %arg7[%swap3A_184, %swap3A_185], %gather3A_181 {strides = array<i32>} : memref<32x200xf32, #tpu.memory_space<vmem>>, vector<16xf32>,
        %add3A_187 = arith.constant 0 : i32
        %add3A_188 = arith.addi %add3A_110, %add3A_187 : i32
        %get3A_189 = arith.index_cast %add3A_188 : i32 to index
        %get3A_190 = arith.constant 112 : index
        %get3A_191 = tpu.vector_load %arg6[%get3A_189, %get3A_190] {strides = array<i32>} : memref<32x200xi32, #tpu.memory_space<vmem>>, vector<16xi32>,
        %gather3A_192 = tpu.vector_load_idx %arg5[%broadcast_in_dim3A, %get3A_191] : memref<32x1000xf32, #tpu.memory_space<vmem>>[vector<16xi32>, vector<16xi32>], vector<16xf32>,
        %add3A_193 = arith.constant 0 : i32
        %add3A_194 = arith.addi %add3A_110, %add3A_193 : i32
        %swap3A_195 = arith.index_cast %add3A_194 : i32 to index
        %swap3A_196 = arith.constant 112 : index
        %swap3A_197 = tpu.vector_load %arg7[%swap3A_195, %swap3A_196] {strides = array<i32>} : memref<32x200xf32, #tpu.memory_space<vmem>>, vector<16xf32>,
        tpu.vector_store %arg7[%swap3A_195, %swap3A_196], %gather3A_192 {strides = array<i32>} : memref<32x200xf32, #tpu.memory_space<vmem>>, vector<16xf32>,
        %add3A_198 = arith.constant 0 : i32
        %add3A_199 = arith.addi %add3A_110, %add3A_198 : i32
        %get3A_200 = arith.index_cast %add3A_199 : i32 to index
        %get3A_201 = arith.constant 128 : index
        %get3A_202 = tpu.vector_load %arg6[%get3A_200, %get3A_201] {strides = array<i32>} : memref<32x200xi32, #tpu.memory_space<vmem>>, vector<16xi32>,
        %gather3A_203 = tpu.vector_load_idx %arg5[%broadcast_in_dim3A, %get3A_202] : memref<32x1000xf32, #tpu.memory_space<vmem>>[vector<16xi32>, vector<16xi32>], vector<16xf32>,
        %add3A_204 = arith.constant 0 : i32
        %add3A_205 = arith.addi %add3A_110, %add3A_204 : i32
        %swap3A_206 = arith.index_cast %add3A_205 : i32 to index
        %swap3A_207 = arith.constant 128 : index
        %swap3A_208 = tpu.vector_load %arg7[%swap3A_206, %swap3A_207] {strides = array<i32>} : memref<32x200xf32, #tpu.memory_space<vmem>>, vector<16xf32>,
        tpu.vector_store %arg7[%swap3A_206, %swap3A_207], %gather3A_203 {strides = array<i32>} : memref<32x200xf32, #tpu.memory_space<vmem>>, vector<16xf32>,
        %add3A_209 = arith.constant 0 : i32
        %add3A_210 = arith.addi %add3A_110, %add3A_209 : i32
        %get3A_211 = arith.index_cast %add3A_210 : i32 to index
        %get3A_212 = arith.constant 144 : index
        %get3A_213 = tpu.vector_load %arg6[%get3A_211, %get3A_212] {strides = array<i32>} : memref<32x200xi32, #tpu.memory_space<vmem>>, vector<16xi32>,
        %gather3A_214 = tpu.vector_load_idx %arg5[%broadcast_in_dim3A, %get3A_213] : memref<32x1000xf32, #tpu.memory_space<vmem>>[vector<16xi32>, vector<16xi32>], vector<16xf32>,
        %add3A_215 = arith.constant 0 : i32
        %add3A_216 = arith.addi %add3A_110, %add3A_215 : i32
        %swap3A_217 = arith.index_cast %add3A_216 : i32 to index
        %swap3A_218 = arith.constant 144 : index
        %swap3A_219 = tpu.vector_load %arg7[%swap3A_217, %swap3A_218] {strides = array<i32>} : memref<32x200xf32, #tpu.memory_space<vmem>>, vector<16xf32>,
        tpu.vector_store %arg7[%swap3A_217, %swap3A_218], %gather3A_214 {strides = array<i32>} : memref<32x200xf32, #tpu.memory_space<vmem>>, vector<16xf32>,
        %add3A_220 = arith.constant 0 : i32
        %add3A_221 = arith.addi %add3A_110, %add3A_220 : i32
        %get3A_222 = arith.index_cast %add3A_221 : i32 to index
        %get3A_223 = arith.constant 160 : index
        %get3A_224 = tpu.vector_load %arg6[%get3A_222, %get3A_223] {strides = array<i32>} : memref<32x200xi32, #tpu.memory_space<vmem>>, vector<16xi32>,
        %gather3A_225 = tpu.vector_load_idx %arg5[%broadcast_in_dim3A, %get3A_224] : memref<32x1000xf32, #tpu.memory_space<vmem>>[vector<16xi32>, vector<16xi32>], vector<16xf32>,
        %add3A_226 = arith.constant 0 : i32
        %add3A_227 = arith.addi %add3A_110, %add3A_226 : i32
        %swap3A_228 = arith.index_cast %add3A_227 : i32 to index
        %swap3A_229 = arith.constant 160 : index
        %swap3A_230 = tpu.vector_load %arg7[%swap3A_228, %swap3A_229] {strides = array<i32>} : memref<32x200xf32, #tpu.memory_space<vmem>>, vector<16xf32>,
        tpu.vector_store %arg7[%swap3A_228, %swap3A_229], %gather3A_225 {strides = array<i32>} : memref<32x200xf32, #tpu.memory_space<vmem>>, vector<16xf32>,
        %add3A_231 = arith.constant 0 : i32
        %add3A_232 = arith.addi %add3A_110, %add3A_231 : i32
        %get3A_233 = arith.index_cast %add3A_232 : i32 to index
        %get3A_234 = arith.constant 176 : index
        %get3A_235 = tpu.vector_load %arg6[%get3A_233, %get3A_234] {strides = array<i32>} : memref<32x200xi32, #tpu.memory_space<vmem>>, vector<16xi32>,
        %gather3A_236 = tpu.vector_load_idx %arg5[%broadcast_in_dim3A, %get3A_235] : memref<32x1000xf32, #tpu.memory_space<vmem>>[vector<16xi32>, vector<16xi32>], vector<16xf32>,
        %add3A_237 = arith.constant 0 : i32
        %add3A_238 = arith.addi %add3A_110, %add3A_237 : i32
        %swap3A_239 = arith.index_cast %add3A_238 : i32 to index
        %swap3A_240 = arith.constant 176 : index
        %swap3A_241 = tpu.vector_load %arg7[%swap3A_239, %swap3A_240] {strides = array<i32>} : memref<32x200xf32, #tpu.memory_space<vmem>>, vector<16xf32>,
        tpu.vector_store %arg7[%swap3A_239, %swap3A_240], %gather3A_236 {strides = array<i32>} : memref<32x200xf32, #tpu.memory_space<vmem>>, vector<16xf32>,
        %add3A_242 = arith.constant 0 : i32
        %add3A_243 = arith.addi %add3A_110, %add3A_242 : i32
        %get3A_244 = arith.index_cast %add3A_243 : i32 to index
        %get3A_245 = arith.constant 184 : index
        %get3A_246 = tpu.vector_load %arg6[%get3A_244, %get3A_245] {strides = array<i32>} : memref<32x200xi32, #tpu.memory_space<vmem>>, vector<16xi32>,
        %gather3A_247 = tpu.vector_load_idx %arg5[%broadcast_in_dim3A, %get3A_246] : memref<32x1000xf32, #tpu.memory_space<vmem>>[vector<16xi32>, vector<16xi32>], vector<16xf32>,
        %add3A_248 = arith.constant 0 : i32
        %add3A_249 = arith.addi %add3A_110, %add3A_248 : i32
        %swap3A_250 = arith.index_cast %add3A_249 : i32 to index
        %swap3A_251 = arith.constant 184 : index
        %swap3A_252 = tpu.vector_load %arg7[%swap3A_250, %swap3A_251] {strides = array<i32>} : memref<32x200xf32, #tpu.memory_space<vmem>>, vector<16xf32>,
        tpu.vector_store %arg7[%swap3A_250, %swap3A_251], %gather3A_247 {strides = array<i32>} : memref<32x200xf32, #tpu.memory_space<vmem>>, vector<16xf32>,
        %add3A_253 = arith.constant 1 : i32
        %add3A_254 = arith.addi %add3A_110, %add3A_253 : i32
        %broadcast_in_dim3A_255 = vector.broadcast %add3A_254 : i32 to vector<16xi32>
        %add3A_256 = arith.constant 1 : i32
        %add3A_257 = arith.addi %add3A_110, %add3A_256 : i32
        %get3A_258 = arith.index_cast %add3A_257 : i32 to index
        %get3A_259 = arith.constant 0 : index
        %get3A_260 = tpu.vector_load %arg6[%get3A_258, %get3A_259] {strides = array<i32>} : memref<32x200xi32, #tpu.memory_space<vmem>>, vector<16xi32>,
        %gather3A_261 = tpu.vector_load_idx %arg5[%broadcast_in_dim3A_255, %get3A_260] : memref<32x1000xf32, #tpu.memory_space<vmem>>[vector<16xi32>, vector<16xi32>], vector<16xf32>,
        %add3A_262 = arith.constant 1 : i32
        %add3A_263 = arith.addi %add3A_110, %add3A_262 : i32
        %swap3A_264 = arith.index_cast %add3A_263 : i32 to index
        %swap3A_265 = arith.constant 0 : index
        %swap3A_266 = tpu.vector_load %arg7[%swap3A_264, %swap3A_265] {strides = array<i32>} : memref<32x200xf32, #tpu.memory_space<vmem>>, vector<16xf32>,
        tpu.vector_store %arg7[%swap3A_264, %swap3A_265], %gather3A_261 {strides = array<i32>} : memref<32x200xf32, #tpu.memory_space<vmem>>, vector<16xf32>,
        %add3A_267 = arith.constant 1 : i32
        %add3A_268 = arith.addi %add3A_110, %add3A_267 : i32
        %get3A_269 = arith.index_cast %add3A_268 : i32 to index
        %get3A_270 = arith.constant 16 : index
        %get3A_271 = tpu.vector_load %arg6[%get3A_269, %get3A_270] {strides = array<i32>} : memref<32x200xi32, #tpu.memory_space<vmem>>, vector<16xi32>,
        %gather3A_272 = tpu.vector_load_idx %arg5[%broadcast_in_dim3A_255, %get3A_271] : memref<32x1000xf32, #tpu.memory_space<vmem>>[vector<16xi32>, vector<16xi32>], vector<16xf32>,
        %add3A_273 = arith.constant 1 : i32
        %add3A_274 = arith.addi %add3A_110, %add3A_273 : i32
        %swap3A_275 = arith.index_cast %add3A_274 : i32 to index
        %swap3A_276 = arith.constant 16 : index
        %swap3A_277 = tpu.vector_load %arg7[%swap3A_275, %swap3A_276] {strides = array<i32>} : memref<32x200xf32, #tpu.memory_space<vmem>>, vector<16xf32>,
        tpu.vector_store %arg7[%swap3A_275, %swap3A_276], %gather3A_272 {strides = array<i32>} : memref<32x200xf32, #tpu.memory_space<vmem>>, vector<16xf32>,
        %add3A_278 = arith.constant 1 : i32
        %add3A_279 = arith.addi %add3A_110, %add3A_278 : i32
        %get3A_280 = arith.index_cast %add3A_279 : i32 to index
        %get3A_281 = arith.constant 32 : index
        %get3A_282 = tpu.vector_load %arg6[%get3A_280, %get3A_281] {strides = array<i32>} : memref<32x200xi32, #tpu.memory_space<vmem>>, vector<16xi32>,
        %gather3A_283 = tpu.vector_load_idx %arg5[%broadcast_in_dim3A_255, %get3A_282] : memref<32x1000xf32, #tpu.memory_space<vmem>>[vector<16xi32>, vector<16xi32>], vector<16xf32>,
        %add3A_284 = arith.constant 1 : i32
        %add3A_285 = arith.addi %add3A_110, %add3A_284 : i32
        %swap3A_286 = arith.index_cast %add3A_285 : i32 to index
        %swap3A_287 = arith.constant 32 : index
        %swap3A_288 = tpu.vector_load %arg7[%swap3A_286, %swap3A_287] {strides = array<i32>} : memref<32x200xf32, #tpu.memory_space<vmem>>, vector<16xf32>,
        tpu.vector_store %arg7[%swap3A_286, %swap3A_287], %gather3A_283 {strides = array<i32>} : memref<32x200xf32, #tpu.memory_space<vmem>>, vector<16xf32>,
        %add3A_289 = arith.constant 1 : i32
        %add3A_290 = arith.addi %add3A_110, %add3A_289 : i32
        %get3A_291 = arith.index_cast %add3A_290 : i32 to index
        %get3A_292 = arith.constant 48 : index
        %get3A_293 = tpu.vector_load %arg6[%get3A_291, %get3A_292] {strides = array<i32>} : memref<32x200xi32, #tpu.memory_space<vmem>>, vector<16xi32>,
        %gather3A_294 = tpu.vector_load_idx %arg5[%broadcast_in_dim3A_255, %get3A_293] : memref<32x1000xf32, #tpu.memory_space<vmem>>[vector<16xi32>, vector<16xi32>], vector<16xf32>,
        %add3A_295 = arith.constant 1 : i32
        %add3A_296 = arith.addi %add3A_110, %add3A_295 : i32
        %swap3A_297 = arith.index_cast %add3A_296 : i32 to index
        %swap3A_298 = arith.constant 48 : index
        %swap3A_299 = tpu.vector_load %arg7[%swap3A_297, %swap3A_298] {strides = array<i32>} : memref<32x200xf32, #tpu.memory_space<vmem>>, vector<16xf32>,
        tpu.vector_store %arg7[%swap3A_297, %swap3A_298], %gather3A_294 {strides = array<i32>} : memref<32x200xf32, #tpu.memory_space<vmem>>, vector<16xf32>,
        %add3A_300 = arith.constant 1 : i32
        %add3A_301 = arith.addi %add3A_110, %add3A_300 : i32
        %get3A_302 = arith.index_cast %add3A_301 : i32 to index
        %get3A_303 = arith.constant 64 : index
        %get3A_304 = tpu.vector_load %arg6[%get3A_302, %get3A_303] {strides = array<i32>} : memref<32x200xi32, #tpu.memory_space<vmem>>, vector<16xi32>,
        %gather3A_305 = tpu.vector_load_idx %arg5[%broadcast_in_dim3A_255, %get3A_304] : memref<32x1000xf32, #tpu.memory_space<vmem>>[vector<16xi32>, vector<16xi32>], vector<16xf32>,
        %add3A_306 = arith.constant 1 : i32
        %add3A_307 = arith.addi %add3A_110, %add3A_306 : i32
        %swap3A_308 = arith.index_cast %add3A_307 : i32 to index
        %swap3A_309 = arith.constant 64 : index
        %swap3A_310 = tpu.vector_load %arg7[%swap3A_308, %swap3A_309] {strides = array<i32>} : memref<32x200xf32, #tpu.memory_space<vmem>>, vector<16xf32>,
        tpu.vector_store %arg7[%swap3A_308, %swap3A_309], %gather3A_305 {strides = array<i32>} : memref<32x200xf32, #tpu.memory_space<vmem>>, vector<16xf32>,
        %add3A_311 = arith.constant 1 : i32
        %add3A_312 = arith.addi %add3A_110, %add3A_311 : i32
        %get3A_313 = arith.index_cast %add3A_312 : i32 to index
        %get3A_314 = arith.constant 80 : index
        %get3A_315 = tpu.vector_load %arg6[%get3A_313, %get3A_314] {strides = array<i32>} : memref<32x200xi32, #tpu.memory_space<vmem>>, vector<16xi32>,
        %gather3A_316 = tpu.vector_load_idx %arg5[%broadcast_in_dim3A_255, %get3A_315] : memref<32x1000xf32, #tpu.memory_space<vmem>>[vector<16xi32>, vector<16xi32>], vector<16xf32>,
        %add3A_317 = arith.constant 1 : i32
        %add3A_318 = arith.addi %add3A_110, %add3A_317 : i32
        %swap3A_319 = arith.index_cast %add3A_318 : i32 to index
        %swap3A_320 = arith.constant 80 : index
        %swap3A_321 = tpu.vector_load %arg7[%swap3A_319, %swap3A_320] {strides = array<i32>} : memref<32x200xf32, #tpu.memory_space<vmem>>, vector<16xf32>,
        tpu.vector_store %arg7[%swap3A_319, %swap3A_320], %gather3A_316 {strides = array<i32>} : memref<32x200xf32, #tpu.memory_space<vmem>>, vector<16xf32>,
        %add3A_322 = arith.constant 1 : i32
        %add3A_323 = arith.addi %add3A_110, %add3A_322 : i32
        %get3A_324 = arith.index_cast %add3A_323 : i32 to index
        %get3A_325 = arith.constant 96 : index
        %get3A_326 = tpu.vector_load %arg6[%get3A_324, %get3A_325] {strides = array<i32>} : memref<32x200xi32, #tpu.memory_space<vmem>>, vector<16xi32>,
        %gather3A_327 = tpu.vector_load_idx %arg5[%broadcast_in_dim3A_255, %get3A_326] : memref<32x1000xf32, #tpu.memory_space<vmem>>[vector<16xi32>, vector<16xi32>], vector<16xf32>,
        %add3A_328 = arith.constant 1 : i32
        %add3A_329 = arith.addi %add3A_110, %add3A_328 : i32
        %swap3A_330 = arith.index_cast %add3A_329 : i32 to index
        %swap3A_331 = arith.constant 96 : index
        %swap3A_332 = tpu.vector_load %arg7[%swap3A_330, %swap3A_331] {strides = array<i32>} : memref<32x200xf32, #tpu.memory_space<vmem>>, vector<16xf32>,
        tpu.vector_store %arg7[%swap3A_330, %swap3A_331], %gather3A_327 {strides = array<i32>} : memref<32x200xf32, #tpu.memory_space<vmem>>, vector<16xf32>,
        %add3A_333 = arith.constant 1 : i32
        %add3A_334 = arith.addi %add3A_110, %add3A_333 : i32
        %get3A_335 = arith.index_cast %add3A_334 : i32 to index
        %get3A_336 = arith.constant 112 : index
        %get3A_337 = tpu.vector_load %arg6[%get3A_335, %get3A_336] {strides = array<i32>} : memref<32x200xi32, #tpu.memory_space<vmem>>, vector<16xi32>,
        %gather3A_338 = tpu.vector_load_idx %arg5[%broadcast_in_dim3A_255, %get3A_337] : memref<32x1000xf32, #tpu.memory_space<vmem>>[vector<16xi32>, vector<16xi32>], vector<16xf32>,
        %add3A_339 = arith.constant 1 : i32
        %add3A_340 = arith.addi %add3A_110, %add3A_339 : i32
        %swap3A_341 = arith.index_cast %add3A_340 : i32 to index
        %swap3A_342 = arith.constant 112 : index
        %swap3A_343 = tpu.vector_load %arg7[%swap3A_341, %swap3A_342] {strides = array<i32>} : memref<32x200xf32, #tpu.memory_space<vmem>>, vector<16xf32>,
        tpu.vector_store %arg7[%swap3A_341, %swap3A_342], %gather3A_338 {strides = array<i32>} : memref<32x200xf32, #tpu.memory_space<vmem>>, vector<16xf32>,
        %add3A_344 = arith.constant 1 : i32
        %add3A_345 = arith.addi %add3A_110, %add3A_344 : i32
        %get3A_346 = arith.index_cast %add3A_345 : i32 to index
        %get3A_347 = arith.constant 128 : index
        %get3A_348 = tpu.vector_load %arg6[%get3A_346, %get3A_347] {strides = array<i32>} : memref<32x200xi32, #tpu.memory_space<vmem>>, vector<16xi32>,
        %gather3A_349 = tpu.vector_load_idx %arg5[%broadcast_in_dim3A_255, %get3A_348] : memref<32x1000xf32, #tpu.memory_space<vmem>>[vector<16xi32>, vector<16xi32>], vector<16xf32>,
        %add3A_350 = arith.constant 1 : i32
        %add3A_351 = arith.addi %add3A_110, %add3A_350 : i32
        %swap3A_352 = arith.index_cast %add3A_351 : i32 to index
        %swap3A_353 = arith.constant 128 : index
        %swap3A_354 = tpu.vector_load %arg7[%swap3A_352, %swap3A_353] {strides = array<i32>} : memref<32x200xf32, #tpu.memory_space<vmem>>, vector<16xf32>,
        tpu.vector_store %arg7[%swap3A_352, %swap3A_353], %gather3A_349 {strides = array<i32>} : memref<32x200xf32, #tpu.memory_space<vmem>>, vector<16xf32>,
        %add3A_355 = arith.constant 1 : i32
        %add3A_356 = arith.addi %add3A_110, %add3A_355 : i32
        %get3A_357 = arith.index_cast %add3A_356 : i32 to index
        %get3A_358 = arith.constant 144 : index
        %get3A_359 = tpu.vector_load %arg6[%get3A_357, %get3A_358] {strides = array<i32>} : memref<32x200xi32, #tpu.memory_space<vmem>>, vector<16xi32>,
        %gather3A_360 = tpu.vector_load_idx %arg5[%broadcast_in_dim3A_255, %get3A_359] : memref<32x1000xf32, #tpu.memory_space<vmem>>[vector<16xi32>, vector<16xi32>], vector<16xf32>,
        %add3A_361 = arith.constant 1 : i32
        %add3A_362 = arith.addi %add3A_110, %add3A_361 : i32
        %swap3A_363 = arith.index_cast %add3A_362 : i32 to index
        %swap3A_364 = arith.constant 144 : index
        %swap3A_365 = tpu.vector_load %arg7[%swap3A_363, %swap3A_364] {strides = array<i32>} : memref<32x200xf32, #tpu.memory_space<vmem>>, vector<16xf32>,
        tpu.vector_store %arg7[%swap3A_363, %swap3A_364], %gather3A_360 {strides = array<i32>} : memref<32x200xf32, #tpu.memory_space<vmem>>, vector<16xf32>,
        %add3A_366 = arith.constant 1 : i32
        %add3A_367 = arith.addi %add3A_110, %add3A_366 : i32
        %get3A_368 = arith.index_cast %add3A_367 : i32 to index
        %get3A_369 = arith.constant 160 : index
        %get3A_370 = tpu.vector_load %arg6[%get3A_368, %get3A_369] {strides = array<i32>} : memref<32x200xi32, #tpu.memory_space<vmem>>, vector<16xi32>,
        %gather3A_371 = tpu.vector_load_idx %arg5[%broadcast_in_dim3A_255, %get3A_370] : memref<32x1000xf32, #tpu.memory_space<vmem>>[vector<16xi32>, vector<16xi32>], vector<16xf32>,
        %add3A_372 = arith.constant 1 : i32
        %add3A_373 = arith.addi %add3A_110, %add3A_372 : i32
        %swap3A_374 = arith.index_cast %add3A_373 : i32 to index
        %swap3A_375 = arith.constant 160 : index
        %swap3A_376 = tpu.vector_load %arg7[%swap3A_374, %swap3A_375] {strides = array<i32>} : memref<32x200xf32, #tpu.memory_space<vmem>>, vector<16xf32>,
        tpu.vector_store %arg7[%swap3A_374, %swap3A_375], %gather3A_371 {strides = array<i32>} : memref<32x200xf32, #tpu.memory_space<vmem>>, vector<16xf32>,
        %add3A_377 = arith.constant 1 : i32
        %add3A_378 = arith.addi %add3A_110, %add3A_377 : i32
        %get3A_379 = arith.index_cast %add3A_378 : i32 to index
        %get3A_380 = arith.constant 176 : index
        %get3A_381 = tpu.vector_load %arg6[%get3A_379, %get3A_380] {strides = array<i32>} : memref<32x200xi32, #tpu.memory_space<vmem>>, vector<16xi32>,
        %gather3A_382 = tpu.vector_load_idx %arg5[%broadcast_in_dim3A_255, %get3A_381] : memref<32x1000xf32, #tpu.memory_space<vmem>>[vector<16xi32>, vector<16xi32>], vector<16xf32>,
        %add3A_383 = arith.constant 1 : i32
        %add3A_384 = arith.addi %add3A_110, %add3A_383 : i32
        %swap3A_385 = arith.index_cast %add3A_384 : i32 to index
        %swap3A_386 = arith.constant 176 : index
        %swap3A_387 = tpu.vector_load %arg7[%swap3A_385, %swap3A_386] {strides = array<i32>} : memref<32x200xf32, #tpu.memory_space<vmem>>, vector<16xf32>,
        tpu.vector_store %arg7[%swap3A_385, %swap3A_386], %gather3A_382 {strides = array<i32>} : memref<32x200xf32, #tpu.memory_space<vmem>>, vector<16xf32>,
        %add3A_388 = arith.constant 1 : i32
        %add3A_389 = arith.addi %add3A_110, %add3A_388 : i32
        %get3A_390 = arith.index_cast %add3A_389 : i32 to index
        %get3A_391 = arith.constant 184 : index
        %get3A_392 = tpu.vector_load %arg6[%get3A_390, %get3A_391] {strides = array<i32>} : memref<32x200xi32, #tpu.memory_space<vmem>>, vector<16xi32>,
        %gather3A_393 = tpu.vector_load_idx %arg5[%broadcast_in_dim3A_255, %get3A_392] : memref<32x1000xf32, #tpu.memory_space<vmem>>[vector<16xi32>, vector<16xi32>], vector<16xf32>,
        %add3A_394 = arith.constant 1 : i32
        %add3A_395 = arith.addi %add3A_110, %add3A_394 : i32
        %swap3A_396 = arith.index_cast %add3A_395 : i32 to index
        %swap3A_397 = arith.constant 184 : index
        %swap3A_398 = tpu.vector_load %arg7[%swap3A_396, %swap3A_397] {strides = array<i32>} : memref<32x200xf32, #tpu.memory_space<vmem>>, vector<16xf32>,
        tpu.vector_store %arg7[%swap3A_396, %swap3A_397], %gather3A_393 {strides = array<i32>} : memref<32x200xf32, #tpu.memory_space<vmem>>, vector<16xf32>,
      }
      %scan3A_59 = arith.constant 16 : i32
      %mul3A_60 = arith.constant 32 : i32
      %mul3A_61 = arith.muli %add3A_35, %mul3A_60 : i32
      %add3A_62 = arith.addi %mul3A_2, %mul3A_61 : i32
      %dma_start3A_63 = arith.constant 0 : i32
      %dma_start3A_64 = tpu.memref_slice %arg4[%add3A_62, %dma_start3A_63] : memref<16384x200xf32, #tpu.memory_space<hbm>> -> memref<32x200xf32, #tpu.memory_space<hbm>>
      %dma_start3A_65 = arith.constant 0 : i32
      %dma_start3A_66 = tpu.memref_slice %arg4[%add3A_62, %dma_start3A_65] : memref<16384x200xf32, #tpu.memory_space<hbm>> -> memref<32x200xf32, #tpu.memory_space<hbm>>
      tpu.enqueue_dma source(%arg7 : memref<32x200xf32, #tpu.memory_space<vmem>>) target(%dma_start3A_66 : memref<32x200xf32, #tpu.memory_space<hbm>>) target_semaphore(%arg13 : memref<!tpu.dma_semaphore, #tpu.memory_space<semaphore_mem>>)
      %mul3A_67 = arith.constant 2 : i32
      %mul3A_68 = arith.muli %add3A_31, %mul3A_67 : i32
      %add3A_69 = arith.constant 1 : i32
      %add3A_70 = arith.addi %mul3A_68, %add3A_69 : i32
      %mul3A_71 = arith.constant 32 : i32
      %mul3A_72 = arith.muli %add3A_70, %mul3A_71 : i32
      %add3A_73 = arith.addi %mul3A_2, %mul3A_72 : i32
      %dma_wait3A_74 = arith.constant 0 : i32
      %dma_wait3A_75 = tpu.memref_slice %arg2[%add3A_73, %dma_wait3A_74] : memref<16384x1000xf32, #tpu.memory_space<hbm>> -> memref<32x1000xf32, #tpu.memory_space<hbm>>
      %dma_wait3A_76 = arith.constant 0 : i32
      %dma_wait3A_77 = tpu.memref_slice %arg2[%add3A_73, %dma_wait3A_76] : memref<16384x1000xf32, #tpu.memory_space<hbm>> -> memref<32x1000xf32, #tpu.memory_space<hbm>>
      tpu.wait_dma2 semaphore(%arg12 : memref<!tpu.dma_semaphore, #tpu.memory_space<semaphore_mem>>) src(%dma_wait3A_77 : memref<32x1000xf32, #tpu.memory_space<hbm>>) dst(%arg8 : memref<32x1000xf32, #tpu.memory_space<vmem>>)
      %dma_wait3A_78 = arith.constant 0 : i32
      %dma_wait3A_79 = tpu.memref_slice %arg3[%add3A_73, %dma_wait3A_78] : memref<16384x200xi32, #tpu.memory_space<hbm>> -> memref<32x200xi32, #tpu.memory_space<hbm>>
      %dma_wait3A_80 = arith.constant 0 : i32
      %dma_wait3A_81 = tpu.memref_slice %arg3[%add3A_73, %dma_wait3A_80] : memref<16384x200xi32, #tpu.memory_space<hbm>> -> memref<32x200xi32, #tpu.memory_space<hbm>>
      tpu.wait_dma2 semaphore(%arg12 : memref<!tpu.dma_semaphore, #tpu.memory_space<semaphore_mem>>) src(%dma_wait3A_81 : memref<32x200xi32, #tpu.memory_space<hbm>>) dst(%arg9 : memref<32x200xi32, #tpu.memory_space<vmem>>)
      %add3A_82 = arith.constant 1 : i32
      %add3A_83 = arith.addi %add3A_70, %add3A_82 : i32
      %lt3A_84 = arith.constant 16 : i32
      %lt3A_85 = arith.cmpi slt, %add3A_83, %lt3A_84 : i32
      %convert_element_type3A_86 = arith.extui %lt3A_85 : i1 to i32
      %cond3A_87 = arith.constant 0 : i32
      %cond3A_88 = arith.cmpi ne, %convert_element_type3A_86, %cond3A_87 : i32
      scf.if %cond3A_88 {
        %add3A_106 = arith.constant 1 : i32
        %add3A_107 = arith.addi %add3A_70, %add3A_106 : i32
        %mul3A_108 = arith.constant 32 : i32
        %mul3A_109 = arith.muli %add3A_107, %mul3A_108 : i32
        %add3A_110 = arith.addi %mul3A_2, %mul3A_109 : i32
        %dma_start3A_111 = arith.constant 0 : i32
        %dma_start3A_112 = tpu.memref_slice %arg2[%add3A_110, %dma_start3A_111] : memref<16384x1000xf32, #tpu.memory_space<hbm>> -> memref<32x1000xf32, #tpu.memory_space<hbm>>
        %dma_start3A_113 = arith.constant 0 : i32
        %dma_start3A_114 = tpu.memref_slice %arg2[%add3A_110, %dma_start3A_113] : memref<16384x1000xf32, #tpu.memory_space<hbm>> -> memref<32x1000xf32, #tpu.memory_space<hbm>>
        tpu.enqueue_dma source(%dma_start3A_114 : memref<32x1000xf32, #tpu.memory_space<hbm>>) target(%arg5 : memref<32x1000xf32, #tpu.memory_space<vmem>>) target_semaphore(%arg11 : memref<!tpu.dma_semaphore, #tpu.memory_space<semaphore_mem>>)
        %dma_start3A_115 = arith.constant 0 : i32
        %dma_start3A_116 = tpu.memref_slice %arg3[%add3A_110, %dma_start3A_115] : memref<16384x200xi32, #tpu.memory_space<hbm>> -> memref<32x200xi32, #tpu.memory_space<hbm>>
        %dma_start3A_117 = arith.constant 0 : i32
        %dma_start3A_118 = tpu.memref_slice %arg3[%add3A_110, %dma_start3A_117] : memref<16384x200xi32, #tpu.memory_space<hbm>> -> memref<32x200xi32, #tpu.memory_space<hbm>>
        tpu.enqueue_dma source(%dma_start3A_118 : memref<32x200xi32, #tpu.memory_space<hbm>>) target(%arg6 : memref<32x200xi32, #tpu.memory_space<vmem>>) target_semaphore(%arg11 : memref<!tpu.dma_semaphore, #tpu.memory_space<semaphore_mem>>)
      } else {
      }
      %ge3A_89 = arith.constant 2 : i32
      %ge3A_90 = arith.cmpi sge, %add3A_70, %ge3A_89 : i32
      %convert_element_type3A_91 = arith.extui %ge3A_90 : i1 to i32
      %cond3A_92 = arith.constant 0 : i32
      %cond3A_93 = arith.cmpi ne, %convert_element_type3A_91, %cond3A_92 : i32
      scf.if %cond3A_93 {
        %sub3A = arith.constant 2 : i32
        %sub3A_106 = arith.subi %add3A_70, %sub3A : i32
        %mul3A_107 = arith.constant 32 : i32
        %mul3A_108 = arith.muli %sub3A_106, %mul3A_107 : i32
        %add3A_109 = arith.addi %mul3A_2, %mul3A_108 : i32
        %dma_wait3A_110 = arith.constant 0 : i32
        %dma_wait3A_111 = tpu.memref_slice %arg4[%add3A_109, %dma_wait3A_110] : memref<16384x200xf32, #tpu.memory_space<hbm>> -> memref<32x200xf32, #tpu.memory_space<hbm>>
        %dma_wait3A_112 = arith.constant 0 : i32
        %dma_wait3A_113 = tpu.memref_slice %arg4[%add3A_109, %dma_wait3A_112] : memref<16384x200xf32, #tpu.memory_space<hbm>> -> memref<32x200xf32, #tpu.memory_space<hbm>>
        tpu.wait_dma2 semaphore(%arg14 : memref<!tpu.dma_semaphore, #tpu.memory_space<semaphore_mem>>) src(%arg10 : memref<32x200xf32, #tpu.memory_space<vmem>>) dst(%dma_wait3A_113 : memref<32x200xf32, #tpu.memory_space<hbm>>)
      } else {
      }
      %scan3A_94 = arith.constant 0 : i32
      %scan3A_95 = arith.constant 16 : i32
      %scan3A_96 = arith.addi %scan3A_94, %scan3A_95 : i32
      %scan3A_97 = arith.constant 1 : i32
      scf.for %scan3A_106 = %scan3A_94 to %scan3A_96 step %scan3A_97  : i32 {
        %mul3A_107 = arith.constant 2 : i32
        %mul3A_108 = arith.muli %scan3A_106, %mul3A_107 : i32
        %add3A_109 = arith.constant 0 : i32
        %add3A_110 = arith.addi %add3A_109, %mul3A_108 : i32
        %add3A_111 = arith.constant 0 : i32
        %add3A_112 = arith.addi %add3A_110, %add3A_111 : i32
        %broadcast_in_dim3A = vector.broadcast %add3A_112 : i32 to vector<16xi32>
        %add3A_113 = arith.constant 0 : i32
        %add3A_114 = arith.addi %add3A_110, %add3A_113 : i32
        %get3A = arith.index_cast %add3A_114 : i32 to index
        %get3A_115 = arith.constant 0 : index
        %get3A_116 = tpu.vector_load %arg9[%get3A, %get3A_115] {strides = array<i32>} : memref<32x200xi32, #tpu.memory_space<vmem>>, vector<16xi32>,
        %gather3A = tpu.vector_load_idx %arg8[%broadcast_in_dim3A, %get3A_116] : memref<32x1000xf32, #tpu.memory_space<vmem>>[vector<16xi32>, vector<16xi32>], vector<16xf32>,
        %add3A_117 = arith.constant 0 : i32
        %add3A_118 = arith.addi %add3A_110, %add3A_117 : i32
        %swap3A = arith.index_cast %add3A_118 : i32 to index
        %swap3A_119 = arith.constant 0 : index
        %swap3A_120 = tpu.vector_load %arg10[%swap3A, %swap3A_119] {strides = array<i32>} : memref<32x200xf32, #tpu.memory_space<vmem>>, vector<16xf32>,
        tpu.vector_store %arg10[%swap3A, %swap3A_119], %gather3A {strides = array<i32>} : memref<32x200xf32, #tpu.memory_space<vmem>>, vector<16xf32>,
        %add3A_121 = arith.constant 0 : i32
        %add3A_122 = arith.addi %add3A_110, %add3A_121 : i32
        %get3A_123 = arith.index_cast %add3A_122 : i32 to index
        %get3A_124 = arith.constant 16 : index
        %get3A_125 = tpu.vector_load %arg9[%get3A_123, %get3A_124] {strides = array<i32>} : memref<32x200xi32, #tpu.memory_space<vmem>>, vector<16xi32>,
        %gather3A_126 = tpu.vector_load_idx %arg8[%broadcast_in_dim3A, %get3A_125] : memref<32x1000xf32, #tpu.memory_space<vmem>>[vector<16xi32>, vector<16xi32>], vector<16xf32>,
        %add3A_127 = arith.constant 0 : i32
        %add3A_128 = arith.addi %add3A_110, %add3A_127 : i32
        %swap3A_129 = arith.index_cast %add3A_128 : i32 to index
        %swap3A_130 = arith.constant 16 : index
        %swap3A_131 = tpu.vector_load %arg10[%swap3A_129, %swap3A_130] {strides = array<i32>} : memref<32x200xf32, #tpu.memory_space<vmem>>, vector<16xf32>,
        tpu.vector_store %arg10[%swap3A_129, %swap3A_130], %gather3A_126 {strides = array<i32>} : memref<32x200xf32, #tpu.memory_space<vmem>>, vector<16xf32>,
        %add3A_132 = arith.constant 0 : i32
        %add3A_133 = arith.addi %add3A_110, %add3A_132 : i32
        %get3A_134 = arith.index_cast %add3A_133 : i32 to index
        %get3A_135 = arith.constant 32 : index
        %get3A_136 = tpu.vector_load %arg9[%get3A_134, %get3A_135] {strides = array<i32>} : memref<32x200xi32, #tpu.memory_space<vmem>>, vector<16xi32>,
        %gather3A_137 = tpu.vector_load_idx %arg8[%broadcast_in_dim3A, %get3A_136] : memref<32x1000xf32, #tpu.memory_space<vmem>>[vector<16xi32>, vector<16xi32>], vector<16xf32>,
        %add3A_138 = arith.constant 0 : i32
        %add3A_139 = arith.addi %add3A_110, %add3A_138 : i32
        %swap3A_140 = arith.index_cast %add3A_139 : i32 to index
        %swap3A_141 = arith.constant 32 : index
        %swap3A_142 = tpu.vector_load %arg10[%swap3A_140, %swap3A_141] {strides = array<i32>} : memref<32x200xf32, #tpu.memory_space<vmem>>, vector<16xf32>,
        tpu.vector_store %arg10[%swap3A_140, %swap3A_141], %gather3A_137 {strides = array<i32>} : memref<32x200xf32, #tpu.memory_space<vmem>>, vector<16xf32>,
        %add3A_143 = arith.constant 0 : i32
        %add3A_144 = arith.addi %add3A_110, %add3A_143 : i32
        %get3A_145 = arith.index_cast %add3A_144 : i32 to index
        %get3A_146 = arith.constant 48 : index
        %get3A_147 = tpu.vector_load %arg9[%get3A_145, %get3A_146] {strides = array<i32>} : memref<32x200xi32, #tpu.memory_space<vmem>>, vector<16xi32>,
        %gather3A_148 = tpu.vector_load_idx %arg8[%broadcast_in_dim3A, %get3A_147] : memref<32x1000xf32, #tpu.memory_space<vmem>>[vector<16xi32>, vector<16xi32>], vector<16xf32>,
        %add3A_149 = arith.constant 0 : i32
        %add3A_150 = arith.addi %add3A_110, %add3A_149 : i32
        %swap3A_151 = arith.index_cast %add3A_150 : i32 to index
        %swap3A_152 = arith.constant 48 : index
        %swap3A_153 = tpu.vector_load %arg10[%swap3A_151, %swap3A_152] {strides = array<i32>} : memref<32x200xf32, #tpu.memory_space<vmem>>, vector<16xf32>,
        tpu.vector_store %arg10[%swap3A_151, %swap3A_152], %gather3A_148 {strides = array<i32>} : memref<32x200xf32, #tpu.memory_space<vmem>>, vector<16xf32>,
        %add3A_154 = arith.constant 0 : i32
        %add3A_155 = arith.addi %add3A_110, %add3A_154 : i32
        %get3A_156 = arith.index_cast %add3A_155 : i32 to index
        %get3A_157 = arith.constant 64 : index
        %get3A_158 = tpu.vector_load %arg9[%get3A_156, %get3A_157] {strides = array<i32>} : memref<32x200xi32, #tpu.memory_space<vmem>>, vector<16xi32>,
        %gather3A_159 = tpu.vector_load_idx %arg8[%broadcast_in_dim3A, %get3A_158] : memref<32x1000xf32, #tpu.memory_space<vmem>>[vector<16xi32>, vector<16xi32>], vector<16xf32>,
        %add3A_160 = arith.constant 0 : i32
        %add3A_161 = arith.addi %add3A_110, %add3A_160 : i32
        %swap3A_162 = arith.index_cast %add3A_161 : i32 to index
        %swap3A_163 = arith.constant 64 : index
        %swap3A_164 = tpu.vector_load %arg10[%swap3A_162, %swap3A_163] {strides = array<i32>} : memref<32x200xf32, #tpu.memory_space<vmem>>, vector<16xf32>,
        tpu.vector_store %arg10[%swap3A_162, %swap3A_163], %gather3A_159 {strides = array<i32>} : memref<32x200xf32, #tpu.memory_space<vmem>>, vector<16xf32>,
        %add3A_165 = arith.constant 0 : i32
        %add3A_166 = arith.addi %add3A_110, %add3A_165 : i32
        %get3A_167 = arith.index_cast %add3A_166 : i32 to index
        %get3A_168 = arith.constant 80 : index
        %get3A_169 = tpu.vector_load %arg9[%get3A_167, %get3A_168] {strides = array<i32>} : memref<32x200xi32, #tpu.memory_space<vmem>>, vector<16xi32>,
        %gather3A_170 = tpu.vector_load_idx %arg8[%broadcast_in_dim3A, %get3A_169] : memref<32x1000xf32, #tpu.memory_space<vmem>>[vector<16xi32>, vector<16xi32>], vector<16xf32>,
        %add3A_171 = arith.constant 0 : i32
        %add3A_172 = arith.addi %add3A_110, %add3A_171 : i32
        %swap3A_173 = arith.index_cast %add3A_172 : i32 to index
        %swap3A_174 = arith.constant 80 : index
        %swap3A_175 = tpu.vector_load %arg10[%swap3A_173, %swap3A_174] {strides = array<i32>} : memref<32x200xf32, #tpu.memory_space<vmem>>, vector<16xf32>,
        tpu.vector_store %arg10[%swap3A_173, %swap3A_174], %gather3A_170 {strides = array<i32>} : memref<32x200xf32, #tpu.memory_space<vmem>>, vector<16xf32>,
        %add3A_176 = arith.constant 0 : i32
        %add3A_177 = arith.addi %add3A_110, %add3A_176 : i32
        %get3A_178 = arith.index_cast %add3A_177 : i32 to index
        %get3A_179 = arith.constant 96 : index
        %get3A_180 = tpu.vector_load %arg9[%get3A_178, %get3A_179] {strides = array<i32>} : memref<32x200xi32, #tpu.memory_space<vmem>>, vector<16xi32>,
        %gather3A_181 = tpu.vector_load_idx %arg8[%broadcast_in_dim3A, %get3A_180] : memref<32x1000xf32, #tpu.memory_space<vmem>>[vector<16xi32>, vector<16xi32>], vector<16xf32>,
        %add3A_182 = arith.constant 0 : i32
        %add3A_183 = arith.addi %add3A_110, %add3A_182 : i32
        %swap3A_184 = arith.index_cast %add3A_183 : i32 to index
        %swap3A_185 = arith.constant 96 : index
        %swap3A_186 = tpu.vector_load %arg10[%swap3A_184, %swap3A_185] {strides = array<i32>} : memref<32x200xf32, #tpu.memory_space<vmem>>, vector<16xf32>,
        tpu.vector_store %arg10[%swap3A_184, %swap3A_185], %gather3A_181 {strides = array<i32>} : memref<32x200xf32, #tpu.memory_space<vmem>>, vector<16xf32>,
        %add3A_187 = arith.constant 0 : i32
        %add3A_188 = arith.addi %add3A_110, %add3A_187 : i32
        %get3A_189 = arith.index_cast %add3A_188 : i32 to index
        %get3A_190 = arith.constant 112 : index
        %get3A_191 = tpu.vector_load %arg9[%get3A_189, %get3A_190] {strides = array<i32>} : memref<32x200xi32, #tpu.memory_space<vmem>>, vector<16xi32>,
        %gather3A_192 = tpu.vector_load_idx %arg8[%broadcast_in_dim3A, %get3A_191] : memref<32x1000xf32, #tpu.memory_space<vmem>>[vector<16xi32>, vector<16xi32>], vector<16xf32>,
        %add3A_193 = arith.constant 0 : i32
        %add3A_194 = arith.addi %add3A_110, %add3A_193 : i32
        %swap3A_195 = arith.index_cast %add3A_194 : i32 to index
        %swap3A_196 = arith.constant 112 : index
        %swap3A_197 = tpu.vector_load %arg10[%swap3A_195, %swap3A_196] {strides = array<i32>} : memref<32x200xf32, #tpu.memory_space<vmem>>, vector<16xf32>,
        tpu.vector_store %arg10[%swap3A_195, %swap3A_196], %gather3A_192 {strides = array<i32>} : memref<32x200xf32, #tpu.memory_space<vmem>>, vector<16xf32>,
        %add3A_198 = arith.constant 0 : i32
        %add3A_199 = arith.addi %add3A_110, %add3A_198 : i32
        %get3A_200 = arith.index_cast %add3A_199 : i32 to index
        %get3A_201 = arith.constant 128 : index
        %get3A_202 = tpu.vector_load %arg9[%get3A_200, %get3A_201] {strides = array<i32>} : memref<32x200xi32, #tpu.memory_space<vmem>>, vector<16xi32>,
        %gather3A_203 = tpu.vector_load_idx %arg8[%broadcast_in_dim3A, %get3A_202] : memref<32x1000xf32, #tpu.memory_space<vmem>>[vector<16xi32>, vector<16xi32>], vector<16xf32>,
        %add3A_204 = arith.constant 0 : i32
        %add3A_205 = arith.addi %add3A_110, %add3A_204 : i32
        %swap3A_206 = arith.index_cast %add3A_205 : i32 to index
        %swap3A_207 = arith.constant 128 : index
        %swap3A_208 = tpu.vector_load %arg10[%swap3A_206, %swap3A_207] {strides = array<i32>} : memref<32x200xf32, #tpu.memory_space<vmem>>, vector<16xf32>,
        tpu.vector_store %arg10[%swap3A_206, %swap3A_207], %gather3A_203 {strides = array<i32>} : memref<32x200xf32, #tpu.memory_space<vmem>>, vector<16xf32>,
        %add3A_209 = arith.constant 0 : i32
        %add3A_210 = arith.addi %add3A_110, %add3A_209 : i32
        %get3A_211 = arith.index_cast %add3A_210 : i32 to index
        %get3A_212 = arith.constant 144 : index
        %get3A_213 = tpu.vector_load %arg9[%get3A_211, %get3A_212] {strides = array<i32>} : memref<32x200xi32, #tpu.memory_space<vmem>>, vector<16xi32>,
        %gather3A_214 = tpu.vector_load_idx %arg8[%broadcast_in_dim3A, %get3A_213] : memref<32x1000xf32, #tpu.memory_space<vmem>>[vector<16xi32>, vector<16xi32>], vector<16xf32>,
        %add3A_215 = arith.constant 0 : i32
        %add3A_216 = arith.addi %add3A_110, %add3A_215 : i32
        %swap3A_217 = arith.index_cast %add3A_216 : i32 to index
        %swap3A_218 = arith.constant 144 : index
        %swap3A_219 = tpu.vector_load %arg10[%swap3A_217, %swap3A_218] {strides = array<i32>} : memref<32x200xf32, #tpu.memory_space<vmem>>, vector<16xf32>,
        tpu.vector_store %arg10[%swap3A_217, %swap3A_218], %gather3A_214 {strides = array<i32>} : memref<32x200xf32, #tpu.memory_space<vmem>>, vector<16xf32>,
        %add3A_220 = arith.constant 0 : i32
        %add3A_221 = arith.addi %add3A_110, %add3A_220 : i32
        %get3A_222 = arith.index_cast %add3A_221 : i32 to index
        %get3A_223 = arith.constant 160 : index
        %get3A_224 = tpu.vector_load %arg9[%get3A_222, %get3A_223] {strides = array<i32>} : memref<32x200xi32, #tpu.memory_space<vmem>>, vector<16xi32>,
        %gather3A_225 = tpu.vector_load_idx %arg8[%broadcast_in_dim3A, %get3A_224] : memref<32x1000xf32, #tpu.memory_space<vmem>>[vector<16xi32>, vector<16xi32>], vector<16xf32>,
        %add3A_226 = arith.constant 0 : i32
        %add3A_227 = arith.addi %add3A_110, %add3A_226 : i32
        %swap3A_228 = arith.index_cast %add3A_227 : i32 to index
        %swap3A_229 = arith.constant 160 : index
        %swap3A_230 = tpu.vector_load %arg10[%swap3A_228, %swap3A_229] {strides = array<i32>} : memref<32x200xf32, #tpu.memory_space<vmem>>, vector<16xf32>,
        tpu.vector_store %arg10[%swap3A_228, %swap3A_229], %gather3A_225 {strides = array<i32>} : memref<32x200xf32, #tpu.memory_space<vmem>>, vector<16xf32>,
        %add3A_231 = arith.constant 0 : i32
        %add3A_232 = arith.addi %add3A_110, %add3A_231 : i32
        %get3A_233 = arith.index_cast %add3A_232 : i32 to index
        %get3A_234 = arith.constant 176 : index
        %get3A_235 = tpu.vector_load %arg9[%get3A_233, %get3A_234] {strides = array<i32>} : memref<32x200xi32, #tpu.memory_space<vmem>>, vector<16xi32>,
        %gather3A_236 = tpu.vector_load_idx %arg8[%broadcast_in_dim3A, %get3A_235] : memref<32x1000xf32, #tpu.memory_space<vmem>>[vector<16xi32>, vector<16xi32>], vector<16xf32>,
        %add3A_237 = arith.constant 0 : i32
        %add3A_238 = arith.addi %add3A_110, %add3A_237 : i32
        %swap3A_239 = arith.index_cast %add3A_238 : i32 to index
        %swap3A_240 = arith.constant 176 : index
        %swap3A_241 = tpu.vector_load %arg10[%swap3A_239, %swap3A_240] {strides = array<i32>} : memref<32x200xf32, #tpu.memory_space<vmem>>, vector<16xf32>,
        tpu.vector_store %arg10[%swap3A_239, %swap3A_240], %gather3A_236 {strides = array<i32>} : memref<32x200xf32, #tpu.memory_space<vmem>>, vector<16xf32>,
        %add3A_242 = arith.constant 0 : i32
        %add3A_243 = arith.addi %add3A_110, %add3A_242 : i32
        %get3A_244 = arith.index_cast %add3A_243 : i32 to index
        %get3A_245 = arith.constant 184 : index
        %get3A_246 = tpu.vector_load %arg9[%get3A_244, %get3A_245] {strides = array<i32>} : memref<32x200xi32, #tpu.memory_space<vmem>>, vector<16xi32>,
        %gather3A_247 = tpu.vector_load_idx %arg8[%broadcast_in_dim3A, %get3A_246] : memref<32x1000xf32, #tpu.memory_space<vmem>>[vector<16xi32>, vector<16xi32>], vector<16xf32>,
        %add3A_248 = arith.constant 0 : i32
        %add3A_249 = arith.addi %add3A_110, %add3A_248 : i32
        %swap3A_250 = arith.index_cast %add3A_249 : i32 to index
        %swap3A_251 = arith.constant 184 : index
        %swap3A_252 = tpu.vector_load %arg10[%swap3A_250, %swap3A_251] {strides = array<i32>} : memref<32x200xf32, #tpu.memory_space<vmem>>, vector<16xf32>,
        tpu.vector_store %arg10[%swap3A_250, %swap3A_251], %gather3A_247 {strides = array<i32>} : memref<32x200xf32, #tpu.memory_space<vmem>>, vector<16xf32>,
        %add3A_253 = arith.constant 1 : i32
        %add3A_254 = arith.addi %add3A_110, %add3A_253 : i32
        %broadcast_in_dim3A_255 = vector.broadcast %add3A_254 : i32 to vector<16xi32>
        %add3A_256 = arith.constant 1 : i32
        %add3A_257 = arith.addi %add3A_110, %add3A_256 : i32
        %get3A_258 = arith.index_cast %add3A_257 : i32 to index
        %get3A_259 = arith.constant 0 : index
        %get3A_260 = tpu.vector_load %arg9[%get3A_258, %get3A_259] {strides = array<i32>} : memref<32x200xi32, #tpu.memory_space<vmem>>, vector<16xi32>,
        %gather3A_261 = tpu.vector_load_idx %arg8[%broadcast_in_dim3A_255, %get3A_260] : memref<32x1000xf32, #tpu.memory_space<vmem>>[vector<16xi32>, vector<16xi32>], vector<16xf32>,
        %add3A_262 = arith.constant 1 : i32
        %add3A_263 = arith.addi %add3A_110, %add3A_262 : i32
        %swap3A_264 = arith.index_cast %add3A_263 : i32 to index
        %swap3A_265 = arith.constant 0 : index
        %swap3A_266 = tpu.vector_load %arg10[%swap3A_264, %swap3A_265] {strides = array<i32>} : memref<32x200xf32, #tpu.memory_space<vmem>>, vector<16xf32>,
        tpu.vector_store %arg10[%swap3A_264, %swap3A_265], %gather3A_261 {strides = array<i32>} : memref<32x200xf32, #tpu.memory_space<vmem>>, vector<16xf32>,
        %add3A_267 = arith.constant 1 : i32
        %add3A_268 = arith.addi %add3A_110, %add3A_267 : i32
        %get3A_269 = arith.index_cast %add3A_268 : i32 to index
        %get3A_270 = arith.constant 16 : index
        %get3A_271 = tpu.vector_load %arg9[%get3A_269, %get3A_270] {strides = array<i32>} : memref<32x200xi32, #tpu.memory_space<vmem>>, vector<16xi32>,
        %gather3A_272 = tpu.vector_load_idx %arg8[%broadcast_in_dim3A_255, %get3A_271] : memref<32x1000xf32, #tpu.memory_space<vmem>>[vector<16xi32>, vector<16xi32>], vector<16xf32>,
        %add3A_273 = arith.constant 1 : i32
        %add3A_274 = arith.addi %add3A_110, %add3A_273 : i32
        %swap3A_275 = arith.index_cast %add3A_274 : i32 to index
        %swap3A_276 = arith.constant 16 : index
        %swap3A_277 = tpu.vector_load %arg10[%swap3A_275, %swap3A_276] {strides = array<i32>} : memref<32x200xf32, #tpu.memory_space<vmem>>, vector<16xf32>,
        tpu.vector_store %arg10[%swap3A_275, %swap3A_276], %gather3A_272 {strides = array<i32>} : memref<32x200xf32, #tpu.memory_space<vmem>>, vector<16xf32>,
        %add3A_278 = arith.constant 1 : i32
        %add3A_279 = arith.addi %add3A_110, %add3A_278 : i32
        %get3A_280 = arith.index_cast %add3A_279 : i32 to index
        %get3A_281 = arith.constant 32 : index
        %get3A_282 = tpu.vector_load %arg9[%get3A_280, %get3A_281] {strides = array<i32>} : memref<32x200xi32, #tpu.memory_space<vmem>>, vector<16xi32>,
        %gather3A_283 = tpu.vector_load_idx %arg8[%broadcast_in_dim3A_255, %get3A_282] : memref<32x1000xf32, #tpu.memory_space<vmem>>[vector<16xi32>, vector<16xi32>], vector<16xf32>,
        %add3A_284 = arith.constant 1 : i32
        %add3A_285 = arith.addi %add3A_110, %add3A_284 : i32
        %swap3A_286 = arith.index_cast %add3A_285 : i32 to index
        %swap3A_287 = arith.constant 32 : index
        %swap3A_288 = tpu.vector_load %arg10[%swap3A_286, %swap3A_287] {strides = array<i32>} : memref<32x200xf32, #tpu.memory_space<vmem>>, vector<16xf32>,
        tpu.vector_store %arg10[%swap3A_286, %swap3A_287], %gather3A_283 {strides = array<i32>} : memref<32x200xf32, #tpu.memory_space<vmem>>, vector<16xf32>,
        %add3A_289 = arith.constant 1 : i32
        %add3A_290 = arith.addi %add3A_110, %add3A_289 : i32
        %get3A_291 = arith.index_cast %add3A_290 : i32 to index
        %get3A_292 = arith.constant 48 : index
        %get3A_293 = tpu.vector_load %arg9[%get3A_291, %get3A_292] {strides = array<i32>} : memref<32x200xi32, #tpu.memory_space<vmem>>, vector<16xi32>,
        %gather3A_294 = tpu.vector_load_idx %arg8[%broadcast_in_dim3A_255, %get3A_293] : memref<32x1000xf32, #tpu.memory_space<vmem>>[vector<16xi32>, vector<16xi32>], vector<16xf32>,
        %add3A_295 = arith.constant 1 : i32
        %add3A_296 = arith.addi %add3A_110, %add3A_295 : i32
        %swap3A_297 = arith.index_cast %add3A_296 : i32 to index
        %swap3A_298 = arith.constant 48 : index
        %swap3A_299 = tpu.vector_load %arg10[%swap3A_297, %swap3A_298] {strides = array<i32>} : memref<32x200xf32, #tpu.memory_space<vmem>>, vector<16xf32>,
        tpu.vector_store %arg10[%swap3A_297, %swap3A_298], %gather3A_294 {strides = array<i32>} : memref<32x200xf32, #tpu.memory_space<vmem>>, vector<16xf32>,
        %add3A_300 = arith.constant 1 : i32
        %add3A_301 = arith.addi %add3A_110, %add3A_300 : i32
        %get3A_302 = arith.index_cast %add3A_301 : i32 to index
        %get3A_303 = arith.constant 64 : index
        %get3A_304 = tpu.vector_load %arg9[%get3A_302, %get3A_303] {strides = array<i32>} : memref<32x200xi32, #tpu.memory_space<vmem>>, vector<16xi32>,
        %gather3A_305 = tpu.vector_load_idx %arg8[%broadcast_in_dim3A_255, %get3A_304] : memref<32x1000xf32, #tpu.memory_space<vmem>>[vector<16xi32>, vector<16xi32>], vector<16xf32>,
        %add3A_306 = arith.constant 1 : i32
        %add3A_307 = arith.addi %add3A_110, %add3A_306 : i32
        %swap3A_308 = arith.index_cast %add3A_307 : i32 to index
        %swap3A_309 = arith.constant 64 : index
        %swap3A_310 = tpu.vector_load %arg10[%swap3A_308, %swap3A_309] {strides = array<i32>} : memref<32x200xf32, #tpu.memory_space<vmem>>, vector<16xf32>,
        tpu.vector_store %arg10[%swap3A_308, %swap3A_309], %gather3A_305 {strides = array<i32>} : memref<32x200xf32, #tpu.memory_space<vmem>>, vector<16xf32>,
        %add3A_311 = arith.constant 1 : i32
        %add3A_312 = arith.addi %add3A_110, %add3A_311 : i32
        %get3A_313 = arith.index_cast %add3A_312 : i32 to index
        %get3A_314 = arith.constant 80 : index
        %get3A_315 = tpu.vector_load %arg9[%get3A_313, %get3A_314] {strides = array<i32>} : memref<32x200xi32, #tpu.memory_space<vmem>>, vector<16xi32>,
        %gather3A_316 = tpu.vector_load_idx %arg8[%broadcast_in_dim3A_255, %get3A_315] : memref<32x1000xf32, #tpu.memory_space<vmem>>[vector<16xi32>, vector<16xi32>], vector<16xf32>,
        %add3A_317 = arith.constant 1 : i32
        %add3A_318 = arith.addi %add3A_110, %add3A_317 : i32
        %swap3A_319 = arith.index_cast %add3A_318 : i32 to index
        %swap3A_320 = arith.constant 80 : index
        %swap3A_321 = tpu.vector_load %arg10[%swap3A_319, %swap3A_320] {strides = array<i32>} : memref<32x200xf32, #tpu.memory_space<vmem>>, vector<16xf32>,
        tpu.vector_store %arg10[%swap3A_319, %swap3A_320], %gather3A_316 {strides = array<i32>} : memref<32x200xf32, #tpu.memory_space<vmem>>, vector<16xf32>,
        %add3A_322 = arith.constant 1 : i32
        %add3A_323 = arith.addi %add3A_110, %add3A_322 : i32
        %get3A_324 = arith.index_cast %add3A_323 : i32 to index
        %get3A_325 = arith.constant 96 : index
        %get3A_326 = tpu.vector_load %arg9[%get3A_324, %get3A_325] {strides = array<i32>} : memref<32x200xi32, #tpu.memory_space<vmem>>, vector<16xi32>,
        %gather3A_327 = tpu.vector_load_idx %arg8[%broadcast_in_dim3A_255, %get3A_326] : memref<32x1000xf32, #tpu.memory_space<vmem>>[vector<16xi32>, vector<16xi32>], vector<16xf32>,
        %add3A_328 = arith.constant 1 : i32
        %add3A_329 = arith.addi %add3A_110, %add3A_328 : i32
        %swap3A_330 = arith.index_cast %add3A_329 : i32 to index
        %swap3A_331 = arith.constant 96 : index
        %swap3A_332 = tpu.vector_load %arg10[%swap3A_330, %swap3A_331] {strides = array<i32>} : memref<32x200xf32, #tpu.memory_space<vmem>>, vector<16xf32>,
        tpu.vector_store %arg10[%swap3A_330, %swap3A_331], %gather3A_327 {strides = array<i32>} : memref<32x200xf32, #tpu.memory_space<vmem>>, vector<16xf32>,
        %add3A_333 = arith.constant 1 : i32
        %add3A_334 = arith.addi %add3A_110, %add3A_333 : i32
        %get3A_335 = arith.index_cast %add3A_334 : i32 to index
        %get3A_336 = arith.constant 112 : index
        %get3A_337 = tpu.vector_load %arg9[%get3A_335, %get3A_336] {strides = array<i32>} : memref<32x200xi32, #tpu.memory_space<vmem>>, vector<16xi32>,
        %gather3A_338 = tpu.vector_load_idx %arg8[%broadcast_in_dim3A_255, %get3A_337] : memref<32x1000xf32, #tpu.memory_space<vmem>>[vector<16xi32>, vector<16xi32>], vector<16xf32>,
        %add3A_339 = arith.constant 1 : i32
        %add3A_340 = arith.addi %add3A_110, %add3A_339 : i32
        %swap3A_341 = arith.index_cast %add3A_340 : i32 to index
        %swap3A_342 = arith.constant 112 : index
        %swap3A_343 = tpu.vector_load %arg10[%swap3A_341, %swap3A_342] {strides = array<i32>} : memref<32x200xf32, #tpu.memory_space<vmem>>, vector<16xf32>,
        tpu.vector_store %arg10[%swap3A_341, %swap3A_342], %gather3A_338 {strides = array<i32>} : memref<32x200xf32, #tpu.memory_space<vmem>>, vector<16xf32>,
        %add3A_344 = arith.constant 1 : i32
        %add3A_345 = arith.addi %add3A_110, %add3A_344 : i32
        %get3A_346 = arith.index_cast %add3A_345 : i32 to index
        %get3A_347 = arith.constant 128 : index
        %get3A_348 = tpu.vector_load %arg9[%get3A_346, %get3A_347] {strides = array<i32>} : memref<32x200xi32, #tpu.memory_space<vmem>>, vector<16xi32>,
        %gather3A_349 = tpu.vector_load_idx %arg8[%broadcast_in_dim3A_255, %get3A_348] : memref<32x1000xf32, #tpu.memory_space<vmem>>[vector<16xi32>, vector<16xi32>], vector<16xf32>,
        %add3A_350 = arith.constant 1 : i32
        %add3A_351 = arith.addi %add3A_110, %add3A_350 : i32
        %swap3A_352 = arith.index_cast %add3A_351 : i32 to index
        %swap3A_353 = arith.constant 128 : index
        %swap3A_354 = tpu.vector_load %arg10[%swap3A_352, %swap3A_353] {strides = array<i32>} : memref<32x200xf32, #tpu.memory_space<vmem>>, vector<16xf32>,
        tpu.vector_store %arg10[%swap3A_352, %swap3A_353], %gather3A_349 {strides = array<i32>} : memref<32x200xf32, #tpu.memory_space<vmem>>, vector<16xf32>,
        %add3A_355 = arith.constant 1 : i32
        %add3A_356 = arith.addi %add3A_110, %add3A_355 : i32
        %get3A_357 = arith.index_cast %add3A_356 : i32 to index
        %get3A_358 = arith.constant 144 : index
        %get3A_359 = tpu.vector_load %arg9[%get3A_357, %get3A_358] {strides = array<i32>} : memref<32x200xi32, #tpu.memory_space<vmem>>, vector<16xi32>,
        %gather3A_360 = tpu.vector_load_idx %arg8[%broadcast_in_dim3A_255, %get3A_359] : memref<32x1000xf32, #tpu.memory_space<vmem>>[vector<16xi32>, vector<16xi32>], vector<16xf32>,
        %add3A_361 = arith.constant 1 : i32
        %add3A_362 = arith.addi %add3A_110, %add3A_361 : i32
        %swap3A_363 = arith.index_cast %add3A_362 : i32 to index
        %swap3A_364 = arith.constant 144 : index
        %swap3A_365 = tpu.vector_load %arg10[%swap3A_363, %swap3A_364] {strides = array<i32>} : memref<32x200xf32, #tpu.memory_space<vmem>>, vector<16xf32>,
        tpu.vector_store %arg10[%swap3A_363, %swap3A_364], %gather3A_360 {strides = array<i32>} : memref<32x200xf32, #tpu.memory_space<vmem>>, vector<16xf32>,
        %add3A_366 = arith.constant 1 : i32
        %add3A_367 = arith.addi %add3A_110, %add3A_366 : i32
        %get3A_368 = arith.index_cast %add3A_367 : i32 to index
        %get3A_369 = arith.constant 160 : index
        %get3A_370 = tpu.vector_load %arg9[%get3A_368, %get3A_369] {strides = array<i32>} : memref<32x200xi32, #tpu.memory_space<vmem>>, vector<16xi32>,
        %gather3A_371 = tpu.vector_load_idx %arg8[%broadcast_in_dim3A_255, %get3A_370] : memref<32x1000xf32, #tpu.memory_space<vmem>>[vector<16xi32>, vector<16xi32>], vector<16xf32>,
        %add3A_372 = arith.constant 1 : i32
        %add3A_373 = arith.addi %add3A_110, %add3A_372 : i32
        %swap3A_374 = arith.index_cast %add3A_373 : i32 to index
        %swap3A_375 = arith.constant 160 : index
        %swap3A_376 = tpu.vector_load %arg10[%swap3A_374, %swap3A_375] {strides = array<i32>} : memref<32x200xf32, #tpu.memory_space<vmem>>, vector<16xf32>,
        tpu.vector_store %arg10[%swap3A_374, %swap3A_375], %gather3A_371 {strides = array<i32>} : memref<32x200xf32, #tpu.memory_space<vmem>>, vector<16xf32>,
        %add3A_377 = arith.constant 1 : i32
        %add3A_378 = arith.addi %add3A_110, %add3A_377 : i32
        %get3A_379 = arith.index_cast %add3A_378 : i32 to index
        %get3A_380 = arith.constant 176 : index
        %get3A_381 = tpu.vector_load %arg9[%get3A_379, %get3A_380] {strides = array<i32>} : memref<32x200xi32, #tpu.memory_space<vmem>>, vector<16xi32>,
        %gather3A_382 = tpu.vector_load_idx %arg8[%broadcast_in_dim3A_255, %get3A_381] : memref<32x1000xf32, #tpu.memory_space<vmem>>[vector<16xi32>, vector<16xi32>], vector<16xf32>,
        %add3A_383 = arith.constant 1 : i32
        %add3A_384 = arith.addi %add3A_110, %add3A_383 : i32
        %swap3A_385 = arith.index_cast %add3A_384 : i32 to index
        %swap3A_386 = arith.constant 176 : index
        %swap3A_387 = tpu.vector_load %arg10[%swap3A_385, %swap3A_386] {strides = array<i32>} : memref<32x200xf32, #tpu.memory_space<vmem>>, vector<16xf32>,
        tpu.vector_store %arg10[%swap3A_385, %swap3A_386], %gather3A_382 {strides = array<i32>} : memref<32x200xf32, #tpu.memory_space<vmem>>, vector<16xf32>,
        %add3A_388 = arith.constant 1 : i32
        %add3A_389 = arith.addi %add3A_110, %add3A_388 : i32
        %get3A_390 = arith.index_cast %add3A_389 : i32 to index
        %get3A_391 = arith.constant 184 : index
        %get3A_392 = tpu.vector_load %arg9[%get3A_390, %get3A_391] {strides = array<i32>} : memref<32x200xi32, #tpu.memory_space<vmem>>, vector<16xi32>,
        %gather3A_393 = tpu.vector_load_idx %arg8[%broadcast_in_dim3A_255, %get3A_392] : memref<32x1000xf32, #tpu.memory_space<vmem>>[vector<16xi32>, vector<16xi32>], vector<16xf32>,
        %add3A_394 = arith.constant 1 : i32
        %add3A_395 = arith.addi %add3A_110, %add3A_394 : i32
        %swap3A_396 = arith.index_cast %add3A_395 : i32 to index
        %swap3A_397 = arith.constant 184 : index
        %swap3A_398 = tpu.vector_load %arg10[%swap3A_396, %swap3A_397] {strides = array<i32>} : memref<32x200xf32, #tpu.memory_space<vmem>>, vector<16xf32>,
        tpu.vector_store %arg10[%swap3A_396, %swap3A_397], %gather3A_393 {strides = array<i32>} : memref<32x200xf32, #tpu.memory_space<vmem>>, vector<16xf32>,
      }
      %scan3A_98 = arith.constant 16 : i32
      %mul3A_99 = arith.constant 32 : i32
      %mul3A_100 = arith.muli %add3A_70, %mul3A_99 : i32
      %add3A_101 = arith.addi %mul3A_2, %mul3A_100 : i32
      %dma_start3A_102 = arith.constant 0 : i32
      %dma_start3A_103 = tpu.memref_slice %arg4[%add3A_101, %dma_start3A_102] : memref<16384x200xf32, #tpu.memory_space<hbm>> -> memref<32x200xf32, #tpu.memory_space<hbm>>
      %dma_start3A_104 = arith.constant 0 : i32
      %dma_start3A_105 = tpu.memref_slice %arg4[%add3A_101, %dma_start3A_104] : memref<16384x200xf32, #tpu.memory_space<hbm>> -> memref<32x200xf32, #tpu.memory_space<hbm>>
      tpu.enqueue_dma source(%arg10 : memref<32x200xf32, #tpu.memory_space<vmem>>) target(%dma_start3A_105 : memref<32x200xf32, #tpu.memory_space<hbm>>) target_semaphore(%arg14 : memref<!tpu.dma_semaphore, #tpu.memory_space<semaphore_mem>>)
    }
    %scan3A_15 = arith.constant 8 : i32
    %add3A_16 = arith.constant 448 : i32
    %add3A_17 = arith.addi %mul3A_2, %add3A_16 : i32
    %dma_wait3A = arith.constant 0 : i32
    %dma_wait3A_18 = tpu.memref_slice %arg4[%add3A_17, %dma_wait3A] : memref<16384x200xf32, #tpu.memory_space<hbm>> -> memref<32x200xf32, #tpu.memory_space<hbm>>
    %dma_wait3A_19 = arith.constant 0 : i32
    %dma_wait3A_20 = tpu.memref_slice %arg4[%add3A_17, %dma_wait3A_19] : memref<16384x200xf32, #tpu.memory_space<hbm>> -> memref<32x200xf32, #tpu.memory_space<hbm>>
    tpu.wait_dma2 semaphore(%arg13 : memref<!tpu.dma_semaphore, #tpu.memory_space<semaphore_mem>>) src(%arg7 : memref<32x200xf32, #tpu.memory_space<vmem>>) dst(%dma_wait3A_20 : memref<32x200xf32, #tpu.memory_space<hbm>>)
    %add3A_21 = arith.constant 480 : i32
    %add3A_22 = arith.addi %mul3A_2, %add3A_21 : i32
    %dma_wait3A_23 = arith.constant 0 : i32
    %dma_wait3A_24 = tpu.memref_slice %arg4[%add3A_22, %dma_wait3A_23] : memref<16384x200xf32, #tpu.memory_space<hbm>> -> memref<32x200xf32, #tpu.memory_space<hbm>>
    %dma_wait3A_25 = arith.constant 0 : i32
    %dma_wait3A_26 = tpu.memref_slice %arg4[%add3A_22, %dma_wait3A_25] : memref<16384x200xf32, #tpu.memory_space<hbm>> -> memref<32x200xf32, #tpu.memory_space<hbm>>
    tpu.wait_dma2 semaphore(%arg14 : memref<!tpu.dma_semaphore, #tpu.memory_space<semaphore_mem>>) src(%arg10 : memref<32x200xf32, #tpu.memory_space<vmem>>) dst(%dma_wait3A_26 : memref<32x200xf32, #tpu.memory_space<hbm>>)
    return
  }
}

</mosaic_0001>

<sc_bundles>
// kernel: kernel.3.cloned.1.call-start
scs
__scs_entry_jumppad:
0x0: {  	(pc) =	sbr.rel $0x88, $3  }
0x1: {  	(tag) =	ssettag $0x0;
	lr =	simm.s32 $0x1  }
0x2: {  	[smem:$0x3F9F] =	sst lr;
	_ =	strace $0xD0000000  }
0x3: {  	_ = 	snop  }
0x4: {  	_ = 	snop  }
0x5: {  	_ = 	snop  }
0x6: {  	_ = 	snop  }
0x7: {  	_ = 	snop  }
__scs_overlays_trampoline_lowered:
0x8: {  	[smem:$0x3FAE] =	sst s0  }
0x9: {  	[smem:$0x3FAF] =	sst s1  }
0xa: {  	[smem:$0x3FB0] =	sst s2  }
0xb: {  	[smem:$0x3FB1] =	sst s3  }
0xc: {  	[smem:$0x3FB2] =	sst s4  }
0xd: {  	[smem:$0x3FB3] =	sst s5  }
0xe: {  	[smem:$0x3FB4] =	sst s6  }
0xf: {  	[smem:$0x3FB5] =	sst s7  }
0x10: {  	[smem:$0x3FB6] =	sst s8  }
0x11: {  	[smem:$0x3FB7] =	sst s9;
	s0 =	simm.s32 @!p0 $0x0  }
0x12: {  	s1 =	sld [smem:$0x3F9D];
	s0 =	simm.s32 @p0 $0x1  }
0x13: {  	[smem:$0x3FB8] =	sst s0;
	s0 =	simm.s32 @!p1 $0x0  }
0x14: {  	s2 =	sld [smem:$0x3F9C];
	s0 =	simm.s32 @p1 $0x1  }
0x15: {  	[smem:$0x3FB9] =	sst s0;
	s0 =	simm.s32 @!p2 $0x0  }
0x16: {  	s3 =	sld [smem:$0x3FDB];
	s0 =	simm.s32 @p2 $0x1  }
0x17: {  	s4 =	simm.s32 $0x1BF5;
	[smem:$0x3FBB] =	sst s0  }
0x18: {  	s0 =	sld [smem:$0x3F9E];
	_ =	swait.ge [sflag:s4], $0x0  }
0x19: {  	s7 =	sld [smem:$0x3F9F]  }
0x1a: {  	s8 =	sadd.s32 $0xFFFFE003, lr  }
0x1b: {  	s9 =	sadd.s32 $0xFFFFFEF7, lr;
	s5 =	simm.s32 $0xFFFFFFFF;
	p2 =	slt.u32 s8, $0xFFFFF086  }
0x1c: {  	p1 =	slt.u32 s9, $0xF7A;
	s5 =	simm.s32 @!p2 $0x0  }
0x1d: {  	s5 =	simm.s32 @p1 $0x1;
	p0 =	seq.s32 s7, s2  }
0x1e: {  	s7 =	smul.u32 @!p0 $0xF7A, s2;
	p2 =	seq.s32 @!p0 s5, $0x0  }
0x1f: {  	s9 =	smul.u32 $0xF7A, s1;
	s8 =	simm.s32 @!p0 $0x1BF5;
	p2 =	por !p2, p0  }
0x20: {  	[sflag:s8] =	ssyncset.s32 @!p0 $0xFFFFF086;
	s6 =	sadd.s32 @!p0 s3, s7;
	s7 =	simm.s32 @!p0 $0x108  }
0x21: {  	s3 =	sadd.s32 s3, s9;
	s6 =	sadd.s32 @!p0 $0x88, s6;
	s7 =	simm.s32 @p2 $0x1082  }
0x22: {  	[simem:s7], [sflag:s8] =	dma.local @!p0 [hbm:s6], $0xF7A  }
0x23: {  	s9 =	sor.u32 $0xD0000000, s2;
	s6 =	simm.s32 $0x108;
	_ =	swait.ge @!p0 [sflag:s8], $0x0  }
0x24: {  	s3 =	sadd.s32 $0x88, s3;
	s6 =	simm.s32 @!p1 $0x1082;
	[sflag:s4] =	ssyncset.s32 $0xFFFFF086  }
0x25: {  	[simem:s6], [sflag:s4] =	dma.local [hbm:s3], $0xF7A  }
0x26: {  	[smem:$0x3F9F] =	sst s1;
	(tag) =	ssettag s2;
	_ =	strace s9  }
0x27: {  	s1 =	sld [smem:$0x3FAF]  }
0x28: {  	s2 =	sld [smem:$0x3FB0]  }
0x29: {  	s4 =	sld [smem:$0x3FB2]  }
0x2a: {  	p0 =	seq.s32 s5, $0x0;
	s5 =	sld [smem:$0x3FB3]  }
0x2b: {  	s6 =	sld [smem:$0x3FB4]  }
0x2c: {  	s7 =	sld [smem:$0x3FB5]  }
0x2d: {  	s3 =	simm.s32 $0x108;
	s8 =	sld [smem:$0x3FB6]  }
0x2e: {  	s3 =	simm.s32 @!p0 $0x1082;
	s9 =	sld [smem:$0x3FB7]  }
0x2f: {  	lr =	sadd.s32 s0, s3;
	s0 =	sld [smem:$0x3FAE]  }
0x30: {  	s3 =	sld [smem:$0x3FB1]  }
0x31: {  	[smem:$0x3FBA] =	sst s10  }
0x32: {  	s10 =	sld [smem:$0x3FB8];
	_ =	sdelay $0x3  }
0x33: {  	p0 =	seq.s32 s10, $0x1;
	s10 =	sld [smem:$0x3FBA];
	_ =	sdelay $0x3  }
0x34: {  	[smem:$0x3FBA] =	sst s10  }
0x35: {  	s10 =	sld [smem:$0x3FB9];
	_ =	sdelay $0x3  }
0x36: {  	p1 =	seq.s32 s10, $0x1;
	s10 =	sld [smem:$0x3FBA];
	_ =	sdelay $0x3  }
0x37: {  	[smem:$0x3FBA] =	sst s10  }
0x38: {  	s10 =	sld [smem:$0x3FBB]  }
0x39: {  	_ = 	snop;
	(pc) =	sbr.ind lr, $3  }
0x3a: {  	_ = 	snop  }
0x3b: {  	_ = 	snop  }
0x3c: {  	p2 =	seq.s32 s10, $0x1;
	s10 =	sld [smem:$0x3FBA]  }
0x3d: {  	_ =	shalt  }
0x3e: {  	_ =	shalt  }
0x3f: {  	_ =	shalt  }
0x40: {  	_ =	shalt  }
0x41: {  	_ =	shalt  }
0x42: {  	_ =	shalt  }
0x43: {  	_ =	shalt  }
0x44: {  	_ =	shalt  }
0x45: {  	_ =	shalt  }
0x46: {  	_ =	shalt  }
0x47: {  	_ =	shalt  }
0x48: {  	_ =	shalt  }
0x49: {  	_ =	shalt  }
0x4a: {  	_ =	shalt  }
0x4b: {  	_ =	shalt  }
0x4c: {  	_ =	shalt  }
0x4d: {  	_ =	shalt  }
0x4e: {  	_ =	shalt  }
0x4f: {  	_ =	shalt  }
0x50: {  	_ =	shalt  }
0x51: {  	_ =	shalt  }
0x52: {  	_ =	shalt  }
0x53: {  	_ =	shalt  }
0x54: {  	_ =	shalt  }
0x55: {  	_ =	shalt  }
0x56: {  	_ =	shalt  }
0x57: {  	_ =	shalt  }
0x58: {  	_ =	shalt  }
0x59: {  	_ =	shalt  }
0x5a: {  	_ =	shalt  }
0x5b: {  	_ =	shalt  }
0x5c: {  	_ =	shalt  }
0x5d: {  	_ =	shalt  }
0x5e: {  	_ =	shalt  }
0x5f: {  	_ =	shalt  }
0x60: {  	_ =	shalt  }
0x61: {  	_ =	shalt  }
0x62: {  	_ =	shalt  }
0x63: {  	_ =	shalt  }
0x64: {  	_ =	shalt  }
0x65: {  	_ =	shalt  }
0x66: {  	_ =	shalt  }
0x67: {  	_ =	shalt  }
0x68: {  	_ =	shalt  }
0x69: {  	_ =	shalt  }
0x6a: {  	_ =	shalt  }
0x6b: {  	_ =	shalt  }
0x6c: {  	_ =	shalt  }
0x6d: {  	_ =	shalt  }
0x6e: {  	_ =	shalt  }
0x6f: {  	_ =	shalt  }
0x70: {  	_ =	shalt  }
0x71: {  	_ =	shalt  }
0x72: {  	_ =	shalt  }
0x73: {  	_ =	shalt  }
0x74: {  	_ =	shalt  }
0x75: {  	_ =	shalt  }
0x76: {  	_ =	shalt  }
0x77: {  	_ =	shalt  }
0x78: {  	_ =	shalt  }
0x79: {  	_ =	shalt  }
0x7a: {  	_ =	shalt  }
0x7b: {  	_ =	shalt  }
0x7c: {  	_ =	shalt  }
0x7d: {  	_ =	shalt  }
0x7e: {  	_ =	shalt  }
0x7f: {  	_ =	shalt  }
0x80: {  	_ =	shalt  }
0x81: {  	_ =	shalt  }
0x82: {  	_ =	shalt  }
0x83: {  	_ =	shalt  }
0x84: {  	_ =	shalt  }
0x85: {  	_ =	shalt  }
0x86: {  	_ =	shalt  }
0x87: {  	_ =	shalt  }
.Lfunc_end0:
.L_simem_size_0:
called_computation_lowered:
.L_overlay_start_0:
0x88: {  	s2 =	sld [smem:$0x3FD9]  }
0x89: {  	s3 =	sld [smem:$0x3FFE];
	_ =	sdelay $0x1  }
0x8a: {  	s1 =	srdreg.scid  }
0x8b: {  	s0 =	sand.u32 $0x1, s1  }
0x8c: {  	s16 =	sshll.u32 s0, $0xA;
	s2 =	sadd.s32 s3, s2  }
0x8d: {  	s2 =	sadd.s32 s2, s16  }
0x8e: {  	[smem:$0x3FC6] =	sst s2  }
0x8f: {  	_ = 	snop  }
0x90: {  	(tm) =	ssettm $0x1  }
0x91: {  	s17 =	sld [smem:$0x3FFB];
	_ =	sdelay $0x3  }
0x92: {  	_ =	strace s17  }
0x93: {  	s2 =	sld [smem:$0x3FFC];
	_ =	sdelay $0x3  }
0x94: {  	_ =	strace s2  }
0x95: {  	s2 =	sld [smem:$0x3FFD];
	_ =	sdelay $0x3  }
0x96: {  	_ =	strace s2  }
0x97: {  	_ =	strace $0x8FFFFFFF  }
0x98: {  	s18 =	sld [smem:$0x3FDB];
	_ =	sdelay $0x1  }
0x99: {  	s19 =	simm.s32 $_scs_section_size  }
0x9a: {  	s4 =	simm.s32 $_size__tile_overlayer_lowered;
	s5 =	simm.s32 $_tile_overlayer_lowered  }
0x9b: {  	s22 =	simm.s32 $0x1BFF;
	s21 =	sshll.u32 s5, $0x1;
	s2 =	sadd.s32 s19, s18  }
0x9c: {  	s6 =	simm.s32 $0x0;
	s20 =	sshll.u32 s4, $0x1;
	s4 =	sadd.s32 s21, s2  }
0x9d: {  	[timem:s6], [sflag:s22] =	dma.local [hbm:s4], s20  }
0x9e: {  	_ =	swait.ge [sflag:s22], s20  }
0x9f: {  	s3 =	ssub.s32 $0x0, s20;
	[sflag:s22] =	ssyncset.done $0x0  }
0xa0: {  	[sflag:s22] =	ssyncadd.s32 s3;
	_ =	sdelay $0x1  }
0xa1: {  	s23 =	simm.s32 $0x1B8B  }
0xa2: {  	_ =	swait.ge [sflag:s23], $0x1  }
0xa3: {  	[sflag:s23] =	ssyncset.done $0x0  }
0xa4: {  	s25 =	simm.s32 $0x1B8E;
	s24 =	sld [smem:$0x3FFE];
	[sflag:s23] =	ssyncadd.s32 $0xFFFFFFFF  }
0xa5: {  	s26 =	simm.s32 $execute0_lowered;
	[smem:$0x3FD2] =	sst s25  }
0xa6: {  	s4 =	sshll.u32 s26, $0x1;
	_ =	strace $0x80000046;
	[dreg:$0x1] =	wrdreg $0xFFFFFFFF  }
0xa7: {  	s28 =	simm.s32 $_size_execute0_lowered;
	s2 =	sadd.s32 s2, s4;
	[dreg:$0x0] =	wrdreg $0x0  }
0xa8: {  	s4 =	sshll.u32 s28, $0x1;
	[dreg:$0x2] =	wrdreg s2  }
0xa9: {  	[dreg:$0x3] =	wrdreg s4  }
0xaa: {  	[dreg:$0x4] =	wrdreg $0xC0  }
0xab: {  	_ =	task [dreg:s6], $0x5FFFF  }
0xac: {  	[dreg:$0x1] =	wrdreg $0xFFFFFFFF  }
0xad: {  	[dreg:$0x0] =	wrdreg $0x60  }
0xae: {  	[dreg:$0x2] =	wrdreg s24  }
0xaf: {  	[dreg:$0x3] =	wrdreg $0x9  }
0xb0: {  	_ =	task.clear_ibuf [dreg:s6], $0x4FFFF;
	_ =	strace $0x90000046  }
0xb1: {  	s29 =	simm.s32 $0x9;
	_ =	strace $0x80000048  }
0xb2: {  	_ =	swait.ge [sflag:s29], $0x1  }
0xb3: {  	[sflag:s29] =	ssyncadd.s32 $0xFFFFFFFF  }
0xb4: {  	_ =	strace $0x90000048  }
0xb5: {  	_ =	sfence  }
0xb6: {  	s30 =	sld [smem:$0x0];
	_ =	sdelay $0x2  }
0xb7: {  	s31 =	sshll.u32 s1, $0xD;
	s1 =	sshrl.u32 s1, $0x2  }
0xb8: {  	s3 =	sand.u32 $0x4000, s31;
	s1 =	sadd.s32 s1, s30  }
0xb9: {  	s0 =	sor.u32 s3, s0;
	s1 =	sshll.u32 s1, $0x11  }
0xba: {  	s0 =	sor.u32 s1, s0  }
0xbb: {  	s0 =	sadd.s32 $0x8F2B, s0  }
0xbc: {  	[sflag:s0] =	ssyncadd.remote.s32 $0x1  }
0xbd: {  	_ =	sfence.sel $0xFFFF  }
0xbe: {  	[dreg:$0x0] =	wrdreg $0xFFFFFFFF;
	(pc) =	sbr.abs _section_cstart, $3  }
0xbf: {  	[dreg:$0x1] =	wrdreg $0xFFFFFFFF  }
0xc0: {  	_ =	task.clear_ibuf [dreg:s6], $0x2FFFF;
	_ =	strace $0x9FFFFFFF  }
0xc1: {  	(tm) =	ssettm $0x7FFFFFFF  }
tec
execute0_lowered:
.L_overlay_start_1:
0x0: {  	(tag) =	ssettag $0x1  }
0x1: {  	s6 =	rddreg [dreg:$0x0]  }
0x2: {  	s0 =	rddreg [dreg:$0x1];
	s2 =	simm.s32 $0x0;
	s3 =	srdreg.scid  }
0x3: {  	s1 =	stileid.u32;
	s12 =	simm.s32 $0x1;
	s13 =	simm.s32 $0xC000  }
0x4: {  	s14 =	simm.s32 $0x14000;
	s15 =	simm.s32 $0xA000;
	s16 =	simm.s32 $0x2  }
0x5: {  	s17 =	simm.s32 $0x16000;
	s18 =	simm.s32 $0x3;
	s19 =	simm.s32 $0x4  }
0x6: {  	s20 =	simm.s32 $0x0;
	[smem:$0x7FF] =	sst s2;
	s5 =	sand.u32 $0x1, s3  }
0x7: {  	s4 =	sshll.u32 s1, $0xA;
	s3 =	sadd.s32 $0x80400, s6;
	s7 =	sshll.u32 s5, $0x9  }
0x8: {  	_ =	strace $0x80000047;
	s30 =	ssub.s32 $0x2, s5;
	s4 =	sor.u32 s7, s4  }
0x9: {  	s5 =	sadd.s32 $0x400, s6;
	s9 =	sshrl.u32 s30, $0x1;
	s8 =	sshll.u32 s4, $0x5  }
0xa: {  	s11 =	ssub.s32 s30, s9;
	s31 =	sshll.u32 s4, $0x7;
	s9 =	sor.u32 $0x40, s4  }
0xb: {  	s10 =	sadd.s32 s8, s6;
	s6 =	sadd.s32 s3, s31;
	s7 =	sadd.s32 s5, s8  }
0xc: {  	s8 =	sadd.s32 $0x280400, s10;
	s10 =	smax.u32 s11, $0x1;
	s11 =	simm.s32 $0x8000  }
.LBB2_1:
0xd: {  	[tilespmem:s2], [sflag:$0x1] =	stream.linear.gather [hbm4b:s6+s2], $0x8000, $0x38;
	[tilespmem:$0x18000] =	vst v63  }
0xe: {  	s21 =	simm.s32 $0x0  }
0xf: {  	[tilespmem:s11], [sflag:$0x1] =	stream.linear.gather [hbm4b:s7+s2], $0x2000, $0x38;
	[tilespmem:$0x18000] =	vst v63  }
.LBB2_2:
0x10: {  	_ =	swait.ge [sflag:s12], $0x8000  }
0x11: {  	s22 =	sshllo.u32 s21, $0x1;
	[sflag:s12] =	ssyncset.done $0x0  }
0x12: {  	s23 =	sshll.u32 s22, $0x5;
	[sflag:s12] =	ssyncadd.s32 $0xFFFF8000  }
0x13: {  	s23 =	sadd.s32 s4, s23;
	_ =	swait.ge [sflag:s12], $0x2000  }
0x14: {  	s24 =	sshll.u32 s23, $0x7;
	[sflag:s12] =	ssyncset.done $0x0  }
0x15: {  	s23 =	sshll.u32 s23, $0x5;
	s24 =	sadd.s32 s3, s24;
	[sflag:s12] =	ssyncadd.s32 $0xFFFFE000  }
0x16: {  	[tilespmem:s13], [sflag:$0x2] =	stream.linear.gather [hbm4b:s24+s2], $0x8000, $0x38;
	[tilespmem:$0x18000] =	vst v63  }
0x17: {  	p0 =	seq.s32 s21, $0x0;
	s23 =	sadd.s32 s5, s23  }
0x18: {  	[tilespmem:s14], [sflag:$0x2] =	stream.linear.gather [hbm4b:s23+s2], $0x2000, $0x38;
	[tilespmem:$0x18000] =	vst v63  }
0x19: {  	s23 =	simm.s32 @!p0 $0x3  }
0x1a: {  	_ =	swait.ge @!p0 [sflag:s23], $0x2000  }
0x1b: {  	s25 =	simm.s32 $0x0;
	[sflag:s23] =	ssyncset.done @!p0 $0x0  }
0x1c: {  	s24 =	simm.s32 $0x0;
	[sflag:s23] =	ssyncadd.s32 @!p0 $0xFFFFE000;
	s23 =	simm.s32 $0x0  }
.LBB2_3:
0x1d: {  	s26 =	sand.u32 $0x1800, s23;
	s28 =	sand.u32 $0x300, s24  }
0x1e: {  	s28 =	sor.u32 s28, s26  }
0x1f: {  	v0 =	vld [tilespmem:s28+$0x8000];
	_ =	sdelay $0x3  }
0x20: {  	v1 =	vmov s25  }
0x21: {  	v2 =	vshll.u32 v1, $0xA;
	v3 =	vshll.u32 v0, $0x3  }
0x22: {  	v2 =	vand.u32 $0x6000, v2;
	v4 =	vld [tilespmem:s28+$0x8010];
	v3 =	vand.u32 $0xFFFFFC00, v3  }
0x23: {  	v1 =	vshll.u32 v1, $0x7;
	v0 =	vand.u32 $0x7F, v0;
	v3 =	vadd.s32 v2, v3  }
0x24: {  	v1 =	vand.u32 $0x300, v1;
	v0 =	vor.u32 v0, v3  }
0x25: {  	v0 =	vor.u32 v1, v0;
	_ =	sdelay $0x1  }
0x26: {  	v49 =	vshll.u32 v4, $0x3  }
0x27: {  	v5 =	vld [tilespmem:s28+$0x8020];
	v3 =	vand.u32 $0xFFFFFC00, v49  }
0x28: {  	v4 =	vand.u32 $0x7F, v4;
	v3 =	vadd.s32 v2, v3  }
0x29: {  	v3 =	vor.u32 v4, v3;
	v0 =	vld.idx.msk [tilespmem:v0+s2+$0x0], $0xffff  }
0x2a: {  	v3 =	vor.u32 v1, v3;
	_ =	sdelay $0x1  }
0x2b: {  	v50 =	vshll.u32 v5, $0x3  }
0x2c: {  	v6 =	vld [tilespmem:s28+$0x8030];
	v4 =	vand.u32 $0xFFFFFC00, v50  }
0x2d: {  	v51 =	vand.u32 $0x7F, v5;
	v4 =	vadd.s32 v2, v4;
	[tilespmem:s28+$0xA000] =	vst v0  }
0x2e: {  	v0 =	vor.u32 v51, v4;
	v3 =	vld.idx.msk [tilespmem:v3+s2+$0x0], $0xffff  }
0x2f: {  	v0 =	vor.u32 v1, v0;
	_ =	sdelay $0x1  }
0x30: {  	v52 =	vshll.u32 v6, $0x3  }
0x31: {  	v53 =	vld [tilespmem:s28+$0x8040];
	v4 =	vand.u32 $0xFFFFFC00, v52  }
0x32: {  	v54 =	vand.u32 $0x7F, v6;
	v4 =	vadd.s32 v2, v4;
	[tilespmem:s28+$0xA010] =	vst v3  }
0x33: {  	v3 =	vor.u32 v54, v4;
	v0 =	vld.idx.msk [tilespmem:v0+s2+$0x0], $0xffff  }
0x34: {  	v3 =	vor.u32 v1, v3;
	_ =	sdelay $0x1  }
0x35: {  	v55 =	vshll.u32 v53, $0x3  }
0x36: {  	v56 =	vld [tilespmem:s28+$0x8050];
	v4 =	vand.u32 $0xFFFFFC00, v55  }
0x37: {  	v57 =	vand.u32 $0x7F, v53;
	v4 =	vadd.s32 v2, v4;
	[tilespmem:s28+$0xA020] =	vst v0  }
0x38: {  	v0 =	vor.u32 v57, v4;
	v3 =	vld.idx.msk [tilespmem:v3+s2+$0x0], $0xffff  }
0x39: {  	v0 =	vor.u32 v1, v0;
	_ =	sdelay $0x1  }
0x3a: {  	v58 =	vshll.u32 v56, $0x3  }
0x3b: {  	v59 =	vld [tilespmem:s28+$0x8060];
	v4 =	vand.u32 $0xFFFFFC00, v58  }
0x3c: {  	v60 =	vand.u32 $0x7F, v56;
	v4 =	vadd.s32 v2, v4;
	[tilespmem:s28+$0xA030] =	vst v3  }
0x3d: {  	v3 =	vor.u32 v60, v4;
	v0 =	vld.idx.msk [tilespmem:v0+s2+$0x0], $0xffff  }
0x3e: {  	v3 =	vor.u32 v1, v3;
	_ =	sdelay $0x1  }
0x3f: {  	v61 =	vshll.u32 v59, $0x3  }
0x40: {  	v62 =	vld [tilespmem:s28+$0x8070];
	v4 =	vand.u32 $0xFFFFFC00, v61  }
0x41: {  	v63 =	vand.u32 $0x7F, v59;
	v4 =	vadd.s32 v2, v4;
	[tilespmem:s28+$0xA040] =	vst v0  }
0x42: {  	v0 =	vor.u32 v63, v4;
	v3 =	vld.idx.msk [tilespmem:v3+s2+$0x0], $0xffff  }
0x43: {  	v0 =	vor.u32 v1, v0;
	_ =	sdelay $0x1  }
0x44: {  	v8 =	vshll.u32 v62, $0x3  }
0x45: {  	v9 =	vld [tilespmem:s28+$0x8400];
	v4 =	vand.u32 $0xFFFFFC00, v8  }
0x46: {  	v10 =	vand.u32 $0x7F, v62;
	v4 =	vadd.s32 v2, v4;
	[tilespmem:s28+$0xA050] =	vst v3  }
0x47: {  	v3 =	vor.u32 v10, v4;
	v0 =	vld.idx.msk [tilespmem:v0+s2+$0x0], $0xffff  }
0x48: {  	v3 =	vor.u32 v1, v3;
	_ =	sdelay $0x1  }
0x49: {  	v11 =	vshll.u32 v9, $0x3  }
0x4a: {  	v12 =	vld [tilespmem:s28+$0x8410];
	v4 =	vand.u32 $0xFFFFFC00, v11  }
0x4b: {  	v13 =	vand.u32 $0x7F, v9;
	v4 =	vadd.s32 v2, v4;
	[tilespmem:s28+$0xA060] =	vst v0  }
0x4c: {  	v0 =	vor.u32 v13, v4;
	v3 =	vld.idx.msk [tilespmem:v3+s2+$0x0], $0xffff  }
0x4d: {  	v0 =	vor.u32 v1, v0;
	_ =	sdelay $0x1  }
0x4e: {  	v14 =	vshll.u32 v12, $0x3  }
0x4f: {  	v15 =	vld [tilespmem:s28+$0x8420];
	v4 =	vand.u32 $0xFFFFFC00, v14  }
0x50: {  	v16 =	vand.u32 $0x7F, v12;
	v4 =	vadd.s32 v2, v4;
	[tilespmem:s28+$0xA070] =	vst v3  }
0x51: {  	v3 =	vor.u32 v16, v4;
	v0 =	vld.idx.msk [tilespmem:v0+s2+$0x0], $0xffff  }
0x52: {  	v3 =	vor.u32 v1, v3;
	_ =	sdelay $0x1  }
0x53: {  	v17 =	vshll.u32 v15, $0x3  }
0x54: {  	v18 =	vld [tilespmem:s28+$0x8430];
	v4 =	vand.u32 $0xFFFFFC00, v17  }
0x55: {  	v19 =	vand.u32 $0x7F, v15;
	v4 =	vadd.s32 v2, v4;
	[tilespmem:s28+$0xA400] =	vst v0  }
0x56: {  	v0 =	vor.u32 v19, v4;
	v3 =	vld.idx.msk [tilespmem:v3+s2+$0x0], $0xffff  }
0x57: {  	v0 =	vor.u32 v1, v0;
	_ =	sdelay $0x1  }
0x58: {  	v20 =	vshll.u32 v18, $0x3  }
0x59: {  	v21 =	vld [tilespmem:s28+$0x8438];
	v4 =	vand.u32 $0xFFFFFC00, v20  }
0x5a: {  	v22 =	vand.u32 $0x7F, v18;
	v4 =	vadd.s32 v2, v4;
	[tilespmem:s28+$0xA410] =	vst v3  }
0x5b: {  	v3 =	vor.u32 v22, v4;
	v0 =	vld.idx.msk [tilespmem:v0+s2+$0x0], $0xffff  }
0x5c: {  	v3 =	vor.u32 v1, v3;
	_ =	sdelay $0x1  }
0x5d: {  	v23 =	vshll.u32 v21, $0x3  }
0x5e: {  	v4 =	vand.u32 $0xFFFFFC00, v23  }
0x5f: {  	v24 =	vand.u32 $0x7F, v21;
	v2 =	vadd.s32 v2, v4;
	[tilespmem:s28+$0xA420] =	vst v0  }
0x60: {  	v0 =	vor.u32 v24, v2;
	v3 =	vld.idx.msk [tilespmem:v3+s2+$0x0], $0xffff  }
0x61: {  	v0 =	vor.u32 v1, v0;
	_ =	sdelay $0x3  }
0x62: {  	[tilespmem:s28+$0xA430] =	vst v3  }
0x63: {  	v0 =	vld.idx.msk [tilespmem:v0+s2+$0x0], $0xffff;
	_ =	sdelay $0x2  }
0x64: {  	s29 =	sadd.s32 $0x80, s24  }
0x65: {  	s29 =	sand.u32 $0x380, s29  }
0x66: {  	s26 =	sor.u32 s26, s29;
	[tilespmem:s28+$0xA438] =	vst v0  }
0x67: {  	v0 =	vld [tilespmem:s26+$0x8000];
	_ =	sdelay $0x2  }
0x68: {  	s31 =	sadd.s32 $0x1, s25  }
0x69: {  	v25 =	vmov s31  }
0x6a: {  	v26 =	vshll.u32 v25, $0xA;
	v27 =	vshll.u32 v0, $0x3  }
0x6b: {  	v2 =	vand.u32 $0x6000, v26;
	v28 =	vld [tilespmem:s26+$0x8010];
	v3 =	vand.u32 $0xFFFFFC00, v27  }
0x6c: {  	v1 =	vshll.u32 v25, $0x7;
	v0 =	vand.u32 $0x7F, v0;
	v3 =	vadd.s32 v2, v3  }
0x6d: {  	v1 =	vand.u32 $0x380, v1;
	v0 =	vor.u32 v0, v3  }
0x6e: {  	v0 =	vor.u32 v1, v0;
	_ =	sdelay $0x1  }
0x6f: {  	v29 =	vshll.u32 v28, $0x3  }
0x70: {  	v30 =	vld [tilespmem:s26+$0x8020];
	v3 =	vand.u32 $0xFFFFFC00, v29  }
0x71: {  	v4 =	vand.u32 $0x7F, v28;
	v3 =	vadd.s32 v2, v3  }
0x72: {  	v3 =	vor.u32 v4, v3;
	v0 =	vld.idx.msk [tilespmem:v0+s2+$0x0], $0xffff  }
0x73: {  	v3 =	vor.u32 v1, v3;
	_ =	sdelay $0x1  }
0x74: {  	v31 =	vshll.u32 v30, $0x3  }
0x75: {  	v32 =	vld [tilespmem:s26+$0x8030];
	v4 =	vand.u32 $0xFFFFFC00, v31  }
0x76: {  	v33 =	vand.u32 $0x7F, v30;
	v4 =	vadd.s32 v2, v4;
	[tilespmem:s26+$0xA000] =	vst v0  }
0x77: {  	v0 =	vor.u32 v33, v4;
	v3 =	vld.idx.msk [tilespmem:v3+s2+$0x0], $0xffff  }
0x78: {  	v0 =	vor.u32 v1, v0;
	_ =	sdelay $0x1  }
0x79: {  	v34 =	vshll.u32 v32, $0x3  }
0x7a: {  	v35 =	vld [tilespmem:s26+$0x8040];
	v4 =	vand.u32 $0xFFFFFC00, v34  }
0x7b: {  	v36 =	vand.u32 $0x7F, v32;
	v4 =	vadd.s32 v2, v4;
	[tilespmem:s26+$0xA010] =	vst v3  }
0x7c: {  	v3 =	vor.u32 v36, v4;
	v0 =	vld.idx.msk [tilespmem:v0+s2+$0x0], $0xffff  }
0x7d: {  	v3 =	vor.u32 v1, v3;
	_ =	sdelay $0x1  }
0x7e: {  	v37 =	vshll.u32 v35, $0x3  }
0x7f: {  	v38 =	vld [tilespmem:s26+$0x8050];
	v4 =	vand.u32 $0xFFFFFC00, v37  }
0x80: {  	v39 =	vand.u32 $0x7F, v35;
	v4 =	vadd.s32 v2, v4;
	[tilespmem:s26+$0xA020] =	vst v0  }
0x81: {  	v0 =	vor.u32 v39, v4;
	v3 =	vld.idx.msk [tilespmem:v3+s2+$0x0], $0xffff  }
0x82: {  	v0 =	vor.u32 v1, v0;
	_ =	sdelay $0x1  }
0x83: {  	v40 =	vshll.u32 v38, $0x3  }
0x84: {  	v41 =	vld [tilespmem:s26+$0x8060];
	v4 =	vand.u32 $0xFFFFFC00, v40  }
0x85: {  	v42 =	vand.u32 $0x7F, v38;
	v4 =	vadd.s32 v2, v4;
	[tilespmem:s26+$0xA030] =	vst v3  }
0x86: {  	v3 =	vor.u32 v42, v4;
	v0 =	vld.idx.msk [tilespmem:v0+s2+$0x0], $0xffff  }
0x87: {  	v3 =	vor.u32 v1, v3;
	_ =	sdelay $0x1  }
0x88: {  	v43 =	vshll.u32 v41, $0x3  }
0x89: {  	v44 =	vld [tilespmem:s26+$0x8070];
	v4 =	vand.u32 $0xFFFFFC00, v43  }
0x8a: {  	v45 =	vand.u32 $0x7F, v41;
	v4 =	vadd.s32 v2, v4;
	[tilespmem:s26+$0xA040] =	vst v0  }
0x8b: {  	v0 =	vor.u32 v45, v4;
	v3 =	vld.idx.msk [tilespmem:v3+s2+$0x0], $0xffff  }
0x8c: {  	v0 =	vor.u32 v1, v0;
	_ =	sdelay $0x1  }
0x8d: {  	v46 =	vshll.u32 v44, $0x3  }
0x8e: {  	v47 =	vld [tilespmem:s26+$0x8400];
	v4 =	vand.u32 $0xFFFFFC00, v46  }
0x8f: {  	v48 =	vand.u32 $0x7F, v44;
	v4 =	vadd.s32 v2, v4;
	[tilespmem:s26+$0xA050] =	vst v3  }
0x90: {  	v3 =	vor.u32 v48, v4;
	v0 =	vld.idx.msk [tilespmem:v0+s2+$0x0], $0xffff  }
0x91: {  	v3 =	vor.u32 v1, v3;
	_ =	sdelay $0x1  }
0x92: {  	v49 =	vshll.u32 v47, $0x3  }
0x93: {  	v50 =	vld [tilespmem:s26+$0x8410];
	v4 =	vand.u32 $0xFFFFFC00, v49  }
0x94: {  	v51 =	vand.u32 $0x7F, v47;
	v4 =	vadd.s32 v2, v4;
	[tilespmem:s26+$0xA060] =	vst v0  }
0x95: {  	v0 =	vor.u32 v51, v4;
	v3 =	vld.idx.msk [tilespmem:v3+s2+$0x0], $0xffff  }
0x96: {  	v0 =	vor.u32 v1, v0;
	_ =	sdelay $0x1  }
0x97: {  	v52 =	vshll.u32 v50, $0x3  }
0x98: {  	v53 =	vld [tilespmem:s26+$0x8420];
	v4 =	vand.u32 $0xFFFFFC00, v52  }
0x99: {  	v54 =	vand.u32 $0x7F, v50;
	v4 =	vadd.s32 v2, v4;
	[tilespmem:s26+$0xA070] =	vst v3  }
0x9a: {  	v3 =	vor.u32 v54, v4;
	v0 =	vld.idx.msk [tilespmem:v0+s2+$0x0], $0xffff  }
0x9b: {  	v3 =	vor.u32 v1, v3;
	_ =	sdelay $0x1  }
0x9c: {  	v55 =	vshll.u32 v53, $0x3  }
0x9d: {  	v56 =	vld [tilespmem:s26+$0x8430];
	v4 =	vand.u32 $0xFFFFFC00, v55  }
0x9e: {  	v57 =	vand.u32 $0x7F, v53;
	v4 =	vadd.s32 v2, v4;
	[tilespmem:s26+$0xA400] =	vst v0  }
0x9f: {  	v0 =	vor.u32 v57, v4;
	v3 =	vld.idx.msk [tilespmem:v3+s2+$0x0], $0xffff  }
0xa0: {  	v0 =	vor.u32 v1, v0;
	_ =	sdelay $0x1  }
0xa1: {  	v58 =	vshll.u32 v56, $0x3  }
0xa2: {  	v59 =	vld [tilespmem:s26+$0x8438];
	v4 =	vand.u32 $0xFFFFFC00, v58  }
0xa3: {  	v60 =	vand.u32 $0x7F, v56;
	v4 =	vadd.s32 v2, v4;
	[tilespmem:s26+$0xA410] =	vst v3  }
0xa4: {  	v3 =	vor.u32 v60, v4;
	v0 =	vld.idx.msk [tilespmem:v0+s2+$0x0], $0xffff  }
0xa5: {  	v3 =	vor.u32 v1, v3;
	_ =	sdelay $0x1  }
0xa6: {  	v61 =	vshll.u32 v59, $0x3  }
0xa7: {  	v4 =	vand.u32 $0xFFFFFC00, v61  }
0xa8: {  	v63 =	vand.u32 $0x7F, v59;
	v62 =	vadd.s32 v2, v4;
	[tilespmem:s26+$0xA420] =	vst v0  }
0xa9: {  	v0 =	vor.u32 v63, v62;
	v3 =	vld.idx.msk [tilespmem:v3+s2+$0x0], $0xffff  }
0xaa: {  	v0 =	vor.u32 v1, v0;
	_ =	sdelay $0x3  }
0xab: {  	[tilespmem:s26+$0xA430] =	vst v3  }
0xac: {  	p0 =	sne.s32 s25, $0x1E;
	v0 =	vld.idx.msk [tilespmem:v0+s2+$0x0], $0xffff  }
.Ltmp0:
0xad: {  	_ = 	snop;
	(pc) =	sbr.rel @p0 .LBB2_3-.Ltmp0, $2  }
0xae: {  	_ =	sdelay $0x2  }
0xaf: {  	s24 =	sadd.s32 $0x100, s24;
	s23 =	sadd.s32 $0x200, s23;
	s25 =	sadd.s32 $0x2, s25;
	[tilespmem:s26+$0xA438] =	vst v0  }
0xb0: {  	s23 =	sshll.u32 s21, $0xB  }
0xb1: {  	s23 =	sadd.s32 s23, s8  }
0xb2: {  	[hbm4b:s23+s2] =	stream.linear.scatter [tilespmem:s15], [sflag:$0x3], $0x2000, $0x38;
	[tilespmem:$0x18000] =	vst v63  }
0xb3: {  	_ =	swait.ge [sflag:s16], $0x8000  }
0xb4: {  	p0 =	seq.s32 s21, $0x7;
	[sflag:s16] =	ssyncset.done $0x0  }
0xb5: {  	s23 =	sshll.u32 @!p0 s21, $0x6;
	[sflag:s16] =	ssyncadd.s32 $0xFFFF8000  }
0xb6: {  	s23 =	sadd.s32 @!p0 s23, s9;
	_ =	swait.ge [sflag:s16], $0x2000  }
0xb7: {  	s25 =	simm.s32 @!p0 $0x0;
	s24 =	sshll.u32 @!p0 s23, $0x7;
	[sflag:s16] =	ssyncset.done $0x0  }
0xb8: {  	s23 =	sshll.u32 @!p0 s23, $0x5;
	s24 =	sadd.s32 @!p0 s3, s24;
	[sflag:s16] =	ssyncadd.s32 $0xFFFFE000  }
0xb9: {  	[tilespmem:s25], [sflag:$0x1] =	stream.linear.gather @!p0 [hbm4b:s24+s25], $0x8000, $0x38;
	[tilespmem:$0x18000] =	vst v63  }
0xba: {  	p1 =	seq.s32 @!p0 s21, $0x0;
	s23 =	sadd.s32 @!p0 s5, s23;
	s24 =	simm.s32 @!p0 $0x8000  }
0xbb: {  	[tilespmem:s24], [sflag:$0x1] =	stream.linear.gather @!p0 [hbm4b:s23+s25], $0x2000, $0x38;
	[tilespmem:$0x18000] =	vst v63  }
0xbc: {  	p0 =	por p0, !p1  }
0xbd: {  	_ =	swait.ge @p0 [sflag:s19], $0x2000  }
0xbe: {  	s23 =	simm.s32 $0x0;
	[sflag:s19] =	ssyncset.done @p0 $0x0  }
0xbf: {  	s24 =	simm.s32 $0x0;
	s25 =	simm.s32 $0x0;
	[sflag:s19] =	ssyncadd.s32 @p0 $0xFFFFE000  }
.LBB2_5:
0xc0: {  	s26 =	sand.u32 $0x1800, s23;
	s28 =	sand.u32 $0x300, s24  }
0xc1: {  	s28 =	sor.u32 s28, s26  }
0xc2: {  	v0 =	vld [tilespmem:s28+$0x14000];
	_ =	sdelay $0x3  }
0xc3: {  	v1 =	vmov s25  }
0xc4: {  	v2 =	vshll.u32 v1, $0xA;
	v3 =	vshll.u32 v0, $0x3  }
0xc5: {  	v2 =	vand.u32 $0x6000, v2;
	v4 =	vld [tilespmem:s28+$0x14010];
	v3 =	vand.u32 $0xFFFFFC00, v3  }
0xc6: {  	v1 =	vshll.u32 v1, $0x7;
	v0 =	vand.u32 $0x7F, v0;
	v3 =	vadd.s32 v2, v3  }
0xc7: {  	v1 =	vand.u32 $0x300, v1;
	v0 =	vor.u32 v0, v3  }
0xc8: {  	v0 =	vor.u32 v1, v0;
	_ =	sdelay $0x1  }
0xc9: {  	v49 =	vshll.u32 v4, $0x3  }
0xca: {  	v5 =	vld [tilespmem:s28+$0x14020];
	v3 =	vand.u32 $0xFFFFFC00, v49  }
0xcb: {  	v4 =	vand.u32 $0x7F, v4;
	v3 =	vadd.s32 v2, v3  }
0xcc: {  	v3 =	vor.u32 v4, v3;
	v0 =	vld.idx.msk [tilespmem:v0+s13+$0x0], $0xffff  }
0xcd: {  	v3 =	vor.u32 v1, v3;
	_ =	sdelay $0x1  }
0xce: {  	v50 =	vshll.u32 v5, $0x3  }
0xcf: {  	v6 =	vld [tilespmem:s28+$0x14030];
	v4 =	vand.u32 $0xFFFFFC00, v50  }
0xd0: {  	v51 =	vand.u32 $0x7F, v5;
	v4 =	vadd.s32 v2, v4;
	[tilespmem:s28+$0x16000] =	vst v0  }
0xd1: {  	v0 =	vor.u32 v51, v4;
	v3 =	vld.idx.msk [tilespmem:v3+s13+$0x0], $0xffff  }
0xd2: {  	v0 =	vor.u32 v1, v0;
	_ =	sdelay $0x1  }
0xd3: {  	v52 =	vshll.u32 v6, $0x3  }
0xd4: {  	v53 =	vld [tilespmem:s28+$0x14040];
	v4 =	vand.u32 $0xFFFFFC00, v52  }
0xd5: {  	v54 =	vand.u32 $0x7F, v6;
	v4 =	vadd.s32 v2, v4;
	[tilespmem:s28+$0x16010] =	vst v3  }
0xd6: {  	v3 =	vor.u32 v54, v4;
	v0 =	vld.idx.msk [tilespmem:v0+s13+$0x0], $0xffff  }
0xd7: {  	v3 =	vor.u32 v1, v3;
	_ =	sdelay $0x1  }
0xd8: {  	v55 =	vshll.u32 v53, $0x3  }
0xd9: {  	v56 =	vld [tilespmem:s28+$0x14050];
	v4 =	vand.u32 $0xFFFFFC00, v55  }
0xda: {  	v57 =	vand.u32 $0x7F, v53;
	v4 =	vadd.s32 v2, v4;
	[tilespmem:s28+$0x16020] =	vst v0  }
0xdb: {  	v0 =	vor.u32 v57, v4;
	v3 =	vld.idx.msk [tilespmem:v3+s13+$0x0], $0xffff  }
0xdc: {  	v0 =	vor.u32 v1, v0;
	_ =	sdelay $0x1  }
0xdd: {  	v58 =	vshll.u32 v56, $0x3  }
0xde: {  	v59 =	vld [tilespmem:s28+$0x14060];
	v4 =	vand.u32 $0xFFFFFC00, v58  }
0xdf: {  	v60 =	vand.u32 $0x7F, v56;
	v4 =	vadd.s32 v2, v4;
	[tilespmem:s28+$0x16030] =	vst v3  }
0xe0: {  	v3 =	vor.u32 v60, v4;
	v0 =	vld.idx.msk [tilespmem:v0+s13+$0x0], $0xffff  }
0xe1: {  	v3 =	vor.u32 v1, v3;
	_ =	sdelay $0x1  }
0xe2: {  	v61 =	vshll.u32 v59, $0x3  }
0xe3: {  	v62 =	vld [tilespmem:s28+$0x14070];
	v4 =	vand.u32 $0xFFFFFC00, v61  }
0xe4: {  	v63 =	vand.u32 $0x7F, v59;
	v4 =	vadd.s32 v2, v4;
	[tilespmem:s28+$0x16040] =	vst v0  }
0xe5: {  	v0 =	vor.u32 v63, v4;
	v3 =	vld.idx.msk [tilespmem:v3+s13+$0x0], $0xffff  }
0xe6: {  	v0 =	vor.u32 v1, v0;
	_ =	sdelay $0x1  }
0xe7: {  	v8 =	vshll.u32 v62, $0x3  }
0xe8: {  	v9 =	vld [tilespmem:s28+$0x14400];
	v4 =	vand.u32 $0xFFFFFC00, v8  }
0xe9: {  	v10 =	vand.u32 $0x7F, v62;
	v4 =	vadd.s32 v2, v4;
	[tilespmem:s28+$0x16050] =	vst v3  }
0xea: {  	v3 =	vor.u32 v10, v4;
	v0 =	vld.idx.msk [tilespmem:v0+s13+$0x0], $0xffff  }
0xeb: {  	v3 =	vor.u32 v1, v3;
	_ =	sdelay $0x1  }
0xec: {  	v11 =	vshll.u32 v9, $0x3  }
0xed: {  	v12 =	vld [tilespmem:s28+$0x14410];
	v4 =	vand.u32 $0xFFFFFC00, v11  }
0xee: {  	v13 =	vand.u32 $0x7F, v9;
	v4 =	vadd.s32 v2, v4;
	[tilespmem:s28+$0x16060] =	vst v0  }
0xef: {  	v0 =	vor.u32 v13, v4;
	v3 =	vld.idx.msk [tilespmem:v3+s13+$0x0], $0xffff  }
0xf0: {  	v0 =	vor.u32 v1, v0;
	_ =	sdelay $0x1  }
0xf1: {  	v14 =	vshll.u32 v12, $0x3  }
0xf2: {  	v15 =	vld [tilespmem:s28+$0x14420];
	v4 =	vand.u32 $0xFFFFFC00, v14  }
0xf3: {  	v16 =	vand.u32 $0x7F, v12;
	v4 =	vadd.s32 v2, v4;
	[tilespmem:s28+$0x16070] =	vst v3  }
0xf4: {  	v3 =	vor.u32 v16, v4;
	v0 =	vld.idx.msk [tilespmem:v0+s13+$0x0], $0xffff  }
0xf5: {  	v3 =	vor.u32 v1, v3;
	_ =	sdelay $0x1  }
0xf6: {  	v17 =	vshll.u32 v15, $0x3  }
0xf7: {  	v18 =	vld [tilespmem:s28+$0x14430];
	v4 =	vand.u32 $0xFFFFFC00, v17  }
0xf8: {  	v19 =	vand.u32 $0x7F, v15;
	v4 =	vadd.s32 v2, v4;
	[tilespmem:s28+$0x16400] =	vst v0  }
0xf9: {  	v0 =	vor.u32 v19, v4;
	v3 =	vld.idx.msk [tilespmem:v3+s13+$0x0], $0xffff  }
0xfa: {  	v0 =	vor.u32 v1, v0;
	_ =	sdelay $0x1  }
0xfb: {  	v20 =	vshll.u32 v18, $0x3  }
0xfc: {  	v21 =	vld [tilespmem:s28+$0x14438];
	v4 =	vand.u32 $0xFFFFFC00, v20  }
0xfd: {  	v22 =	vand.u32 $0x7F, v18;
	v4 =	vadd.s32 v2, v4;
	[tilespmem:s28+$0x16410] =	vst v3  }
0xfe: {  	v3 =	vor.u32 v22, v4;
	v0 =	vld.idx.msk [tilespmem:v0+s13+$0x0], $0xffff  }
0xff: {  	v3 =	vor.u32 v1, v3;
	_ =	sdelay $0x1  }
0x100: {  	v23 =	vshll.u32 v21, $0x3  }
0x101: {  	v4 =	vand.u32 $0xFFFFFC00, v23  }
0x102: {  	v24 =	vand.u32 $0x7F, v21;
	v2 =	vadd.s32 v2, v4;
	[tilespmem:s28+$0x16420] =	vst v0  }
0x103: {  	v0 =	vor.u32 v24, v2;
	v3 =	vld.idx.msk [tilespmem:v3+s13+$0x0], $0xffff  }
0x104: {  	v0 =	vor.u32 v1, v0;
	_ =	sdelay $0x3  }
0x105: {  	[tilespmem:s28+$0x16430] =	vst v3  }
0x106: {  	v0 =	vld.idx.msk [tilespmem:v0+s13+$0x0], $0xffff;
	_ =	sdelay $0x2  }
0x107: {  	s29 =	sadd.s32 $0x80, s24  }
0x108: {  	s29 =	sand.u32 $0x380, s29  }
0x109: {  	s26 =	sor.u32 s26, s29;
	[tilespmem:s28+$0x16438] =	vst v0  }
0x10a: {  	v0 =	vld [tilespmem:s26+$0x14000];
	_ =	sdelay $0x2  }
0x10b: {  	s31 =	sadd.s32 $0x1, s25  }
0x10c: {  	v25 =	vmov s31  }
0x10d: {  	v26 =	vshll.u32 v25, $0xA;
	v27 =	vshll.u32 v0, $0x3  }
0x10e: {  	v2 =	vand.u32 $0x6000, v26;
	v28 =	vld [tilespmem:s26+$0x14010];
	v3 =	vand.u32 $0xFFFFFC00, v27  }
0x10f: {  	v1 =	vshll.u32 v25, $0x7;
	v0 =	vand.u32 $0x7F, v0;
	v3 =	vadd.s32 v2, v3  }
0x110: {  	v1 =	vand.u32 $0x380, v1;
	v0 =	vor.u32 v0, v3  }
0x111: {  	v0 =	vor.u32 v1, v0;
	_ =	sdelay $0x1  }
0x112: {  	v29 =	vshll.u32 v28, $0x3  }
0x113: {  	v30 =	vld [tilespmem:s26+$0x14020];
	v3 =	vand.u32 $0xFFFFFC00, v29  }
0x114: {  	v4 =	vand.u32 $0x7F, v28;
	v3 =	vadd.s32 v2, v3  }
0x115: {  	v3 =	vor.u32 v4, v3;
	v0 =	vld.idx.msk [tilespmem:v0+s13+$0x0], $0xffff  }
0x116: {  	v3 =	vor.u32 v1, v3;
	_ =	sdelay $0x1  }
0x117: {  	v31 =	vshll.u32 v30, $0x3  }
0x118: {  	v32 =	vld [tilespmem:s26+$0x14030];
	v4 =	vand.u32 $0xFFFFFC00, v31  }
0x119: {  	v33 =	vand.u32 $0x7F, v30;
	v4 =	vadd.s32 v2, v4;
	[tilespmem:s26+$0x16000] =	vst v0  }
0x11a: {  	v0 =	vor.u32 v33, v4;
	v3 =	vld.idx.msk [tilespmem:v3+s13+$0x0], $0xffff  }
0x11b: {  	v0 =	vor.u32 v1, v0;
	_ =	sdelay $0x1  }
0x11c: {  	v34 =	vshll.u32 v32, $0x3  }
0x11d: {  	v35 =	vld [tilespmem:s26+$0x14040];
	v4 =	vand.u32 $0xFFFFFC00, v34  }
0x11e: {  	v36 =	vand.u32 $0x7F, v32;
	v4 =	vadd.s32 v2, v4;
	[tilespmem:s26+$0x16010] =	vst v3  }
0x11f: {  	v3 =	vor.u32 v36, v4;
	v0 =	vld.idx.msk [tilespmem:v0+s13+$0x0], $0xffff  }
0x120: {  	v3 =	vor.u32 v1, v3;
	_ =	sdelay $0x1  }
0x121: {  	v37 =	vshll.u32 v35, $0x3  }
0x122: {  	v38 =	vld [tilespmem:s26+$0x14050];
	v4 =	vand.u32 $0xFFFFFC00, v37  }
0x123: {  	v39 =	vand.u32 $0x7F, v35;
	v4 =	vadd.s32 v2, v4;
	[tilespmem:s26+$0x16020] =	vst v0  }
0x124: {  	v0 =	vor.u32 v39, v4;
	v3 =	vld.idx.msk [tilespmem:v3+s13+$0x0], $0xffff  }
0x125: {  	v0 =	vor.u32 v1, v0;
	_ =	sdelay $0x1  }
0x126: {  	v40 =	vshll.u32 v38, $0x3  }
0x127: {  	v41 =	vld [tilespmem:s26+$0x14060];
	v4 =	vand.u32 $0xFFFFFC00, v40  }
0x128: {  	v42 =	vand.u32 $0x7F, v38;
	v4 =	vadd.s32 v2, v4;
	[tilespmem:s26+$0x16030] =	vst v3  }
0x129: {  	v3 =	vor.u32 v42, v4;
	v0 =	vld.idx.msk [tilespmem:v0+s13+$0x0], $0xffff  }
0x12a: {  	v3 =	vor.u32 v1, v3;
	_ =	sdelay $0x1  }
0x12b: {  	v43 =	vshll.u32 v41, $0x3  }
0x12c: {  	v44 =	vld [tilespmem:s26+$0x14070];
	v4 =	vand.u32 $0xFFFFFC00, v43  }
0x12d: {  	v45 =	vand.u32 $0x7F, v41;
	v4 =	vadd.s32 v2, v4;
	[tilespmem:s26+$0x16040] =	vst v0  }
0x12e: {  	v0 =	vor.u32 v45, v4;
	v3 =	vld.idx.msk [tilespmem:v3+s13+$0x0], $0xffff  }
0x12f: {  	v0 =	vor.u32 v1, v0;
	_ =	sdelay $0x1  }
0x130: {  	v46 =	vshll.u32 v44, $0x3  }
0x131: {  	v47 =	vld [tilespmem:s26+$0x14400];
	v4 =	vand.u32 $0xFFFFFC00, v46  }
0x132: {  	v48 =	vand.u32 $0x7F, v44;
	v4 =	vadd.s32 v2, v4;
	[tilespmem:s26+$0x16050] =	vst v3  }
0x133: {  	v3 =	vor.u32 v48, v4;
	v0 =	vld.idx.msk [tilespmem:v0+s13+$0x0], $0xffff  }
0x134: {  	v3 =	vor.u32 v1, v3;
	_ =	sdelay $0x1  }
0x135: {  	v49 =	vshll.u32 v47, $0x3  }
0x136: {  	v50 =	vld [tilespmem:s26+$0x14410];
	v4 =	vand.u32 $0xFFFFFC00, v49  }
0x137: {  	v51 =	vand.u32 $0x7F, v47;
	v4 =	vadd.s32 v2, v4;
	[tilespmem:s26+$0x16060] =	vst v0  }
0x138: {  	v0 =	vor.u32 v51, v4;
	v3 =	vld.idx.msk [tilespmem:v3+s13+$0x0], $0xffff  }
0x139: {  	v0 =	vor.u32 v1, v0;
	_ =	sdelay $0x1  }
0x13a: {  	v52 =	vshll.u32 v50, $0x3  }
0x13b: {  	v53 =	vld [tilespmem:s26+$0x14420];
	v4 =	vand.u32 $0xFFFFFC00, v52  }
0x13c: {  	v54 =	vand.u32 $0x7F, v50;
	v4 =	vadd.s32 v2, v4;
	[tilespmem:s26+$0x16070] =	vst v3  }
0x13d: {  	v3 =	vor.u32 v54, v4;
	v0 =	vld.idx.msk [tilespmem:v0+s13+$0x0], $0xffff  }
0x13e: {  	v3 =	vor.u32 v1, v3;
	_ =	sdelay $0x1  }
0x13f: {  	v55 =	vshll.u32 v53, $0x3  }
0x140: {  	v56 =	vld [tilespmem:s26+$0x14430];
	v4 =	vand.u32 $0xFFFFFC00, v55  }
0x141: {  	v57 =	vand.u32 $0x7F, v53;
	v4 =	vadd.s32 v2, v4;
	[tilespmem:s26+$0x16400] =	vst v0  }
0x142: {  	v0 =	vor.u32 v57, v4;
	v3 =	vld.idx.msk [tilespmem:v3+s13+$0x0], $0xffff  }
0x143: {  	v0 =	vor.u32 v1, v0;
	_ =	sdelay $0x1  }
0x144: {  	v58 =	vshll.u32 v56, $0x3  }
0x145: {  	v59 =	vld [tilespmem:s26+$0x14438];
	v4 =	vand.u32 $0xFFFFFC00, v58  }
0x146: {  	v60 =	vand.u32 $0x7F, v56;
	v4 =	vadd.s32 v2, v4;
	[tilespmem:s26+$0x16410] =	vst v3  }
0x147: {  	v3 =	vor.u32 v60, v4;
	v0 =	vld.idx.msk [tilespmem:v0+s13+$0x0], $0xffff  }
0x148: {  	v3 =	vor.u32 v1, v3;
	_ =	sdelay $0x1  }
0x149: {  	v61 =	vshll.u32 v59, $0x3  }
0x14a: {  	v4 =	vand.u32 $0xFFFFFC00, v61  }
0x14b: {  	v63 =	vand.u32 $0x7F, v59;
	v62 =	vadd.s32 v2, v4;
	[tilespmem:s26+$0x16420] =	vst v0  }
0x14c: {  	v0 =	vor.u32 v63, v62;
	v3 =	vld.idx.msk [tilespmem:v3+s13+$0x0], $0xffff  }
0x14d: {  	v0 =	vor.u32 v1, v0;
	_ =	sdelay $0x3  }
0x14e: {  	[tilespmem:s26+$0x16430] =	vst v3  }
0x14f: {  	p0 =	sne.s32 s25, $0x1E;
	v0 =	vld.idx.msk [tilespmem:v0+s13+$0x0], $0xffff  }
.Ltmp1:
0x150: {  	_ = 	snop;
	(pc) =	sbr.rel @p0 .LBB2_5-.Ltmp1, $2  }
0x151: {  	_ =	sdelay $0x2  }
0x152: {  	s24 =	sadd.s32 $0x100, s24;
	s23 =	sadd.s32 $0x200, s23;
	s25 =	sadd.s32 $0x2, s25;
	[tilespmem:s26+$0x16438] =	vst v0  }
0x153: {  	s21 =	sadd.s32 $0x1, s21  }
0x154: {  	p0 =	sne.s32 s21, $0x8  }
.Ltmp2:
0x155: {  	_ = 	snop;
	(pc) =	sbr.rel @p0 .LBB2_2-.Ltmp2, $4  }
0x156: {  	_ = 	snop  }
0x157: {  	s22 =	sshll.u32 s22, $0xA  }
0x158: {  	s22 =	sadd.s32 s22, s8  }
0x159: {  	[hbm4b:s22+s2] =	stream.linear.scatter [tilespmem:s17], [sflag:$0x4], $0x2000, $0x38;
	[tilespmem:$0x18000] =	vst v63  }
0x15a: {  	s20 =	sadd.s32 $0x1, s20  }
0x15b: {  	_ =	swait.ge [sflag:s18], $0x2000;
	p0 =	sne.s32 s20, s10  }
.Ltmp3:
0x15c: {  	[sflag:s18] =	ssyncset.done $0x0;
	(pc) =	sbr.rel @p0 .LBB2_1-.Ltmp3, $4  }
0x15d: {  	[sflag:s18] =	ssyncadd.s32 $0xFFFFE000  }
0x15e: {  	_ =	swait.ge [sflag:s19], $0x2000  }
0x15f: {  	[sflag:s19] =	ssyncset.done $0x0  }
0x160: {  	[sflag:s19] =	ssyncadd.s32 $0xFFFFE000  }
0x161: {  	_ =	sfence.sel $0x180000  }
0x162: {  	[bflag:$0x0] =	sbarrier.arrive $0xFFFF  }
0x163: {  	p0 =	sne.s32 s1, $0x0;
	_ =	strace $0x90000047  }
0x164: {  	s0 =	sadd.s32 @!p0 $0x100000, s0;
	[bflag:$0x2] =	sbarrier.arrive $0xFFFF  }
0x165: {  	[sflag:s0] =	ssyncadd.tile.s32 @!p0 $0x1;
	_ =	shalt  }
.Lfunc_end2:
_tile_overlayer_lowered:
.L_overlay_start_2:
0x166: {  	(tag) =	ssettag $0x2  }
0x167: {  	s0 =	rddreg [dreg:$0x0];
	s2 =	stileid.u32  }
0x168: {  	s1 =	rddreg [dreg:$0x1];
	p0 =	sne.s32 s2, $0x0  }
0x169: {  	s3 =	rddreg [dreg:$0x2];
	[bflag:$0x3] =	sbarrier.arrive $0xFFFF;
	s2 =	simm.s32 @!p0 $0x1C05  }
0x16a: {  	[timem:s3], [sflag:s2] =	dma.local @!p0 [hbm:s0], s1  }
0x16b: {  	s0 =	simm.s32 @!p0 $0x5  }
0x16c: {  	_ =	swait.ge @!p0 [sflag:s0], s1  }
0x16d: {  	s1 =	ssub.s32 @!p0 $0x0, s1;
	[sflag:s0] =	ssyncset.done @!p0 $0x0  }
0x16e: {  	[sflag:s0] =	ssyncadd.s32 @!p0 s1  }
0x16f: {  	[bflag:$0x3] =	sbarrier.arrive $0xFFFF  }
0x170: {  	_ =	shalt  }

</sc_bundles>
